<compile_context>
chip_gen: v7x
topology: tpu7x:2x2x1
jax: 0.10.2.dev20260603
libtpu: 0.0.44.dev20260713+nightly
codegen_flags: <defaults>
</compile_context>

<pallas_src>
import functools

import jax
import jax.numpy as jnp
from jax import lax
from jax.experimental import pallas as pl
from jax.experimental.pallas import tpu as pltpu
from jax.experimental.pallas import tpu_sc as plsc

_NC = 2
_NS = 16
_NW = _NC * _NS
_L = 16
_TW, _TD = 8, 128


@functools.lru_cache(maxsize=None)
def _build_sc_call(B, H, W, D):
    D2 = 2 * D
    PLANE = W * D2
    WT, DT = W // _TW, D2 // _TD
    DHALF = D // _TD
    assert H == _NW and D % _TD == 0 and W % _TW == 0

    mesh = plsc.VectorSubcoreMesh(core_axis_name="c", subcore_axis_name="s")

    @functools.partial(
        pl.kernel,
        out_type=jax.ShapeDtypeStruct((B * H * PLANE,), jnp.float32),
        mesh=mesh,
        scratch_types=[
            pltpu.VMEM((W * D,), jnp.float32),
            pltpu.VMEM((D,), jnp.float32),
            pltpu.VMEM((PLANE,), jnp.float32),
            pltpu.SemaphoreType.DMA,
        ],
        compiler_params=pltpu.CompilerParams(needs_layout_passes=False),
    )
    def sc_call(col_hbm, row_hbm, out_hbm, col_v, row_v, plane_v, sem):
        cid = lax.axis_index("c")
        sid = lax.axis_index("s")
        h = sid * _NC + cid
        ht = h // _TW
        hi = h - ht * _TW
        pltpu.sync_copy(col_hbm, col_v)
        for dt2 in range(D // _TD):
            roff = pl.multiple_of((ht * DHALF + dt2) * _TW * _TD + hi * _TD, _TD)
            pltpu.sync_copy(
                row_hbm.at[pl.ds(roff, _TD)], row_v.at[pl.ds(dt2 * _TD, _TD)]
            )

        rvecs = [row_v[pl.ds(t * _L, _L)] for t in range(D // _L)]

        def w_body(i, carry):
            wt = i // _TW
            wi = i - wt * _TW
            src0 = pl.multiple_of((wt * DHALF) * _TW * _TD + wi * _TD, _TD)
            dst0 = pl.multiple_of((wt * DT) * _TW * _TD + wi * _TD, _TD)
            for dt in range(DT):
                dst = dst0 + dt * _TW * _TD
                if dt < DHALF:
                    src = src0 + dt * _TW * _TD
                    for t in range(_TD // _L):
                        plane_v[pl.ds(dst + t * _L, _L)] = col_v[
                            pl.ds(src + t * _L, _L)
                        ]
                else:
                    for t in range(_TD // _L):
                        plane_v[pl.ds(dst + t * _L, _L)] = rvecs[
                            (dt - DHALF) * (_TD // _L) + t
                        ]
            return carry

        HALF = PLANE // 2
        copies = []
        for half in range(2):
            lax.fori_loop(half * (W // 2), (half + 1) * (W // 2), w_body, 0)
            for b in range(B):
                off = pl.multiple_of((b * H + h) * PLANE + half * HALF, HALF)
                cp = pltpu.make_async_copy(
                    plane_v.at[pl.ds(half * HALF, HALF)],
                    out_hbm.at[pl.ds(off, HALF)],
                    sem,
                )
                cp.start()
                copies.append(cp)
        for cp in copies:
            cp.wait()

    return sc_call


def kernel(pixel_values, row_embeddings, column_embeddings):
    B = pixel_values.shape[0]
    H, W = pixel_values.shape[-2], pixel_values.shape[-1]
    D = row_embeddings.shape[-1]
    D2 = 2 * D
    col = (
        column_embeddings[:W]
        .reshape(W // _TW, _TW, D // _TD, _TD)
        .transpose(0, 2, 1, 3)
        .reshape(-1)
    )
    row = (
        row_embeddings[:H]
        .reshape(H // _TW, _TW, D // _TD, _TD)
        .transpose(0, 2, 1, 3)
        .reshape(-1)
    )
    out = _build_sc_call(B, H, W, D)(col, row)
    out6 = out.reshape(B, H, W // _TW, D2 // _TD, _TW, _TD)
    return jnp.transpose(out6, (0, 3, 5, 1, 2, 4)).reshape(B, D2, H, W)

# --- scband reference (transcript-rebuilt; emitter-appended) ---
"""Pipeline reference for scband-table-transformer-learned-position-embedding-55336358641818 (READ-ONLY COPY).

The authoritative reference and input builder live on the scoring server;
editing this copy changes nothing except your own understanding.
"""

import jax, jax.numpy as jnp
import numpy as np


def setup_inputs(seed: int = 0) -> dict:
    key = jax.random.key(seed)
    k1, k2, k3 = jax.random.split(key, 3)
    pixel_values = jax.random.normal(k1, (16, 768, 32, 32), dtype=jnp.float32)
    row_embeddings = jax.random.normal(k2, (50, 256), dtype=jnp.float32) * 0.02
    column_embeddings = jax.random.normal(k3, (50, 256), dtype=jnp.float32) * 0.02
    return {
        "pixel_values": pixel_values,
        "row_embeddings": row_embeddings,
        "column_embeddings": column_embeddings,
    }


def reference(pixel_values, row_embeddings, column_embeddings):
    B = pixel_values.shape[0]
    H, W = pixel_values.shape[-2], pixel_values.shape[-1]
    width_values = jnp.arange(W)
    height_values = jnp.arange(H)
    # embedding lookups (gather)
    x_emb = jnp.take(column_embeddings, width_values, axis=0)  # (W, D)
    y_emb = jnp.take(row_embeddings, height_values, axis=0)    # (H, D)
    D = x_emb.shape[-1]
    # x_emb.unsqueeze(0).repeat(H,1,1) and y_emb.unsqueeze(1).repeat(1,W,1)
    x_part = jnp.broadcast_to(x_emb[None, :, :], (H, W, D))
    y_part = jnp.broadcast_to(y_emb[:, None, :], (H, W, D))
    pos = jnp.concatenate([x_part, y_part], axis=-1)  # (H, W, 2D)
    pos = jnp.transpose(pos, (2, 0, 1))               # (2D, H, W)
    pos = pos[None, :, :, :]                          # (1, 2D, H, W)
    pos = jnp.broadcast_to(pos, (B,) + pos.shape[1:]) # (B, 2D, H, W)
    return pos

if __name__ == "__main__":
    import jax
    _d = setup_inputs()
    print(jax.jit(kernel)(*tuple(_d.values())))

</pallas_src>

<mosaic_0001>
#map = affine_map<(d0, d1) -> (0)>
module attributes {stable_mosaic.version = 14 : i64} {
  func.func @sc_call(%arg0: i32, %arg1: i32, %arg2: memref<8192xf32, #tpu.memory_space<hbm>>, %arg3: memref<8192xf32, #tpu.memory_space<hbm>>, %arg4: memref<8388608xf32, #tpu.memory_space<hbm>>, %arg5: memref<8192xf32, #tpu.memory_space<vmem>>, %arg6: memref<256xf32, #tpu.memory_space<vmem>>, %arg7: memref<16384xf32, #tpu.memory_space<vmem>>, %arg8: memref<!tpu.dma_semaphore, #tpu.memory_space<semaphore_mem>>) attributes {dimension_semantics = [#tpu.dimension_semantics<core_parallel>, #tpu.dimension_semantics<subcore_parallel>], iteration_bounds = array<i64: 2, 16>, scalar_prefetch = 0 : i64, scratch_operands = 4 : i64, tpu.core_type = #tpu.core_type<sc_vector_subcore>, window_params = [{transform_indices = #map}, {transform_indices = #map}, {transform_indices = #map}]} {
    %mul3A = arith.constant 2 : i32
    %mul3A_0 = arith.muli %arg1, %mul3A : i32
    %add3A = arith.addi %mul3A_0, %arg0 : i32
    %jit3A = arith.constant 8 : i32
    %div3A = arith.divsi %add3A, %jit3A : i32
    %sign3A = arith.constant 0 : i32
    %sign3A_1 = arith.cmpi sgt, %add3A, %sign3A : i32
    %sign3A_2 = arith.extui %sign3A_1 : i1 to i32
    %sign3A_3 = arith.constant 0 : i32
    %sign3A_4 = arith.cmpi slt, %add3A, %sign3A_3 : i32
    %sign3A_5 = arith.extui %sign3A_4 : i1 to i32
    %sign3A_6 = arith.subi %sign3A_2, %sign3A_5 : i32
    %sign3A_7 = arith.constant 0 : i32
    %sign3A_8 = arith.cmpi sgt, %jit3A, %sign3A_7 : i32
    %sign3A_9 = arith.extui %sign3A_8 : i1 to i32
    %sign3A_10 = arith.constant 0 : i32
    %sign3A_11 = arith.cmpi slt, %jit3A, %sign3A_10 : i32
    %sign3A_12 = arith.extui %sign3A_11 : i1 to i32
    %sign3A_13 = arith.subi %sign3A_9, %sign3A_12 : i32
    %ne3A = arith.cmpi ne, %sign3A_6, %sign3A_13 : i32
    %rem3A = arith.remsi %add3A, %jit3A : i32
    %ne3A_14 = arith.constant 0 : i32
    %ne3A_15 = arith.cmpi ne, %rem3A, %ne3A_14 : i32
    %and3A = arith.andi %ne3A, %ne3A_15 : i1
    %sub3A = arith.constant 1 : i32
    %sub3A_16 = arith.subi %div3A, %sub3A : i32
    %select_n3A = arith.select %and3A, %sub3A_16, %div3A : i32
    %mul3A_17 = arith.constant 8 : i32
    %mul3A_18 = arith.muli %select_n3A, %mul3A_17 : i32
    %sub3A_19 = arith.subi %add3A, %mul3A_18 : i32
    "tpu.region"() ({
      %run_scoped3A = tpu.sem_alloc : memref<!tpu.dma_semaphore, #tpu.memory_space<semaphore_mem>>
      tpu.enqueue_dma source(%arg2 : memref<8192xf32, #tpu.memory_space<hbm>>) target(%arg5 : memref<8192xf32, #tpu.memory_space<vmem>>) target_semaphore(%run_scoped3A : memref<!tpu.dma_semaphore, #tpu.memory_space<semaphore_mem>>)
      tpu.wait_dma2 semaphore(%run_scoped3A : memref<!tpu.dma_semaphore, #tpu.memory_space<semaphore_mem>>) src(%arg2 : memref<8192xf32, #tpu.memory_space<hbm>>) dst(%arg5 : memref<8192xf32, #tpu.memory_space<vmem>>)
      tpu.yield
    }) : () -> ()
    %mul3A_20 = arith.constant 2 : i32
    %mul3A_21 = arith.muli %select_n3A, %mul3A_20 : i32
    %add3A_22 = arith.constant 0 : i32
    %add3A_23 = arith.addi %mul3A_21, %add3A_22 : i32
    %mul3A_24 = arith.constant 8 : i32
    %mul3A_25 = arith.muli %add3A_23, %mul3A_24 : i32
    %mul3A_26 = arith.constant 128 : i32
    %mul3A_27 = arith.muli %mul3A_25, %mul3A_26 : i32
    %mul3A_28 = arith.constant 128 : i32
    %mul3A_29 = arith.muli %sub3A_19, %mul3A_28 : i32
    %add3A_30 = arith.addi %mul3A_27, %mul3A_29 : i32
    %multiple_of3A = tpu.assume_multiple %add3A_30, 128 : i32
    "tpu.region"() ({
      %run_scoped3A = tpu.sem_alloc : memref<!tpu.dma_semaphore, #tpu.memory_space<semaphore_mem>>
      %dma_start3A_691 = arith.constant 0 : i32
      %dma_start3A_692 = tpu.memref_slice %arg6[%dma_start3A_691] : memref<256xf32, #tpu.memory_space<vmem>> -> memref<128xf32, #tpu.memory_space<vmem>>
      %dma_start3A_693 = tpu.memref_slice %arg3[%multiple_of3A] : memref<8192xf32, #tpu.memory_space<hbm>> -> memref<128xf32, #tpu.memory_space<hbm>>
      %dma_start3A_694 = arith.constant 0 : i32
      %dma_start3A_695 = tpu.memref_slice %arg6[%dma_start3A_694] : memref<256xf32, #tpu.memory_space<vmem>> -> memref<128xf32, #tpu.memory_space<vmem>>
      %dma_start3A_696 = tpu.memref_slice %arg3[%multiple_of3A] : memref<8192xf32, #tpu.memory_space<hbm>> -> memref<128xf32, #tpu.memory_space<hbm>>
      tpu.enqueue_dma source(%dma_start3A_696 : memref<128xf32, #tpu.memory_space<hbm>>) target(%dma_start3A_695 : memref<128xf32, #tpu.memory_space<vmem>>) target_semaphore(%run_scoped3A : memref<!tpu.dma_semaphore, #tpu.memory_space<semaphore_mem>>)
      %dma_wait3A_697 = arith.constant 0 : i32
      %dma_wait3A_698 = tpu.memref_slice %arg6[%dma_wait3A_697] : memref<256xf32, #tpu.memory_space<vmem>> -> memref<128xf32, #tpu.memory_space<vmem>>
      %dma_wait3A_699 = tpu.memref_slice %arg3[%multiple_of3A] : memref<8192xf32, #tpu.memory_space<hbm>> -> memref<128xf32, #tpu.memory_space<hbm>>
      %dma_wait3A_700 = arith.constant 0 : i32
      %dma_wait3A_701 = tpu.memref_slice %arg6[%dma_wait3A_700] : memref<256xf32, #tpu.memory_space<vmem>> -> memref<128xf32, #tpu.memory_space<vmem>>
      %dma_wait3A_702 = tpu.memref_slice %arg3[%multiple_of3A] : memref<8192xf32, #tpu.memory_space<hbm>> -> memref<128xf32, #tpu.memory_space<hbm>>
      tpu.wait_dma2 semaphore(%run_scoped3A : memref<!tpu.dma_semaphore, #tpu.memory_space<semaphore_mem>>) src(%dma_wait3A_702 : memref<128xf32, #tpu.memory_space<hbm>>) dst(%dma_wait3A_701 : memref<128xf32, #tpu.memory_space<vmem>>)
      tpu.yield
    }) : () -> ()
    %mul3A_31 = arith.constant 2 : i32
    %mul3A_32 = arith.muli %select_n3A, %mul3A_31 : i32
    %add3A_33 = arith.constant 1 : i32
    %add3A_34 = arith.addi %mul3A_32, %add3A_33 : i32
    %mul3A_35 = arith.constant 8 : i32
    %mul3A_36 = arith.muli %add3A_34, %mul3A_35 : i32
    %mul3A_37 = arith.constant 128 : i32
    %mul3A_38 = arith.muli %mul3A_36, %mul3A_37 : i32
    %mul3A_39 = arith.constant 128 : i32
    %mul3A_40 = arith.muli %sub3A_19, %mul3A_39 : i32
    %add3A_41 = arith.addi %mul3A_38, %mul3A_40 : i32
    %multiple_of3A_42 = tpu.assume_multiple %add3A_41, 128 : i32
    "tpu.region"() ({
      %run_scoped3A = tpu.sem_alloc : memref<!tpu.dma_semaphore, #tpu.memory_space<semaphore_mem>>
      %dma_start3A_691 = arith.constant 128 : i32
      %dma_start3A_692 = tpu.memref_slice %arg6[%dma_start3A_691] : memref<256xf32, #tpu.memory_space<vmem>> -> memref<128xf32, #tpu.memory_space<vmem>>
      %dma_start3A_693 = tpu.memref_slice %arg3[%multiple_of3A_42] : memref<8192xf32, #tpu.memory_space<hbm>> -> memref<128xf32, #tpu.memory_space<hbm>>
      %dma_start3A_694 = arith.constant 128 : i32
      %dma_start3A_695 = tpu.memref_slice %arg6[%dma_start3A_694] : memref<256xf32, #tpu.memory_space<vmem>> -> memref<128xf32, #tpu.memory_space<vmem>>
      %dma_start3A_696 = tpu.memref_slice %arg3[%multiple_of3A_42] : memref<8192xf32, #tpu.memory_space<hbm>> -> memref<128xf32, #tpu.memory_space<hbm>>
      tpu.enqueue_dma source(%dma_start3A_696 : memref<128xf32, #tpu.memory_space<hbm>>) target(%dma_start3A_695 : memref<128xf32, #tpu.memory_space<vmem>>) target_semaphore(%run_scoped3A : memref<!tpu.dma_semaphore, #tpu.memory_space<semaphore_mem>>)
      %dma_wait3A_697 = arith.constant 128 : i32
      %dma_wait3A_698 = tpu.memref_slice %arg6[%dma_wait3A_697] : memref<256xf32, #tpu.memory_space<vmem>> -> memref<128xf32, #tpu.memory_space<vmem>>
      %dma_wait3A_699 = tpu.memref_slice %arg3[%multiple_of3A_42] : memref<8192xf32, #tpu.memory_space<hbm>> -> memref<128xf32, #tpu.memory_space<hbm>>
      %dma_wait3A_700 = arith.constant 128 : i32
      %dma_wait3A_701 = tpu.memref_slice %arg6[%dma_wait3A_700] : memref<256xf32, #tpu.memory_space<vmem>> -> memref<128xf32, #tpu.memory_space<vmem>>
      %dma_wait3A_702 = tpu.memref_slice %arg3[%multiple_of3A_42] : memref<8192xf32, #tpu.memory_space<hbm>> -> memref<128xf32, #tpu.memory_space<hbm>>
      tpu.wait_dma2 semaphore(%run_scoped3A : memref<!tpu.dma_semaphore, #tpu.memory_space<semaphore_mem>>) src(%dma_wait3A_702 : memref<128xf32, #tpu.memory_space<hbm>>) dst(%dma_wait3A_701 : memref<128xf32, #tpu.memory_space<vmem>>)
      tpu.yield
    }) : () -> ()
    %get3A = arith.constant 0 : index
    %get3A_43 = tpu.vector_load %arg6[%get3A] {strides = array<i32>} : memref<256xf32, #tpu.memory_space<vmem>>, vector<16xf32>,
    %get3A_44 = arith.constant 16 : index
    %get3A_45 = tpu.vector_load %arg6[%get3A_44] {strides = array<i32>} : memref<256xf32, #tpu.memory_space<vmem>>, vector<16xf32>,
    %get3A_46 = arith.constant 32 : index
    %get3A_47 = tpu.vector_load %arg6[%get3A_46] {strides = array<i32>} : memref<256xf32, #tpu.memory_space<vmem>>, vector<16xf32>,
    %get3A_48 = arith.constant 48 : index
    %get3A_49 = tpu.vector_load %arg6[%get3A_48] {strides = array<i32>} : memref<256xf32, #tpu.memory_space<vmem>>, vector<16xf32>,
    %get3A_50 = arith.constant 64 : index
    %get3A_51 = tpu.vector_load %arg6[%get3A_50] {strides = array<i32>} : memref<256xf32, #tpu.memory_space<vmem>>, vector<16xf32>,
    %get3A_52 = arith.constant 80 : index
    %get3A_53 = tpu.vector_load %arg6[%get3A_52] {strides = array<i32>} : memref<256xf32, #tpu.memory_space<vmem>>, vector<16xf32>,
    %get3A_54 = arith.constant 96 : index
    %get3A_55 = tpu.vector_load %arg6[%get3A_54] {strides = array<i32>} : memref<256xf32, #tpu.memory_space<vmem>>, vector<16xf32>,
    %get3A_56 = arith.constant 112 : index
    %get3A_57 = tpu.vector_load %arg6[%get3A_56] {strides = array<i32>} : memref<256xf32, #tpu.memory_space<vmem>>, vector<16xf32>,
    %get3A_58 = arith.constant 128 : index
    %get3A_59 = tpu.vector_load %arg6[%get3A_58] {strides = array<i32>} : memref<256xf32, #tpu.memory_space<vmem>>, vector<16xf32>,
    %get3A_60 = arith.constant 144 : index
    %get3A_61 = tpu.vector_load %arg6[%get3A_60] {strides = array<i32>} : memref<256xf32, #tpu.memory_space<vmem>>, vector<16xf32>,
    %get3A_62 = arith.constant 160 : index
    %get3A_63 = tpu.vector_load %arg6[%get3A_62] {strides = array<i32>} : memref<256xf32, #tpu.memory_space<vmem>>, vector<16xf32>,
    %get3A_64 = arith.constant 176 : index
    %get3A_65 = tpu.vector_load %arg6[%get3A_64] {strides = array<i32>} : memref<256xf32, #tpu.memory_space<vmem>>, vector<16xf32>,
    %get3A_66 = arith.constant 192 : index
    %get3A_67 = tpu.vector_load %arg6[%get3A_66] {strides = array<i32>} : memref<256xf32, #tpu.memory_space<vmem>>, vector<16xf32>,
    %get3A_68 = arith.constant 208 : index
    %get3A_69 = tpu.vector_load %arg6[%get3A_68] {strides = array<i32>} : memref<256xf32, #tpu.memory_space<vmem>>, vector<16xf32>,
    %get3A_70 = arith.constant 224 : index
    %get3A_71 = tpu.vector_load %arg6[%get3A_70] {strides = array<i32>} : memref<256xf32, #tpu.memory_space<vmem>>, vector<16xf32>,
    %get3A_72 = arith.constant 240 : index
    %get3A_73 = tpu.vector_load %arg6[%get3A_72] {strides = array<i32>} : memref<256xf32, #tpu.memory_space<vmem>>, vector<16xf32>,
    %scan3A = arith.constant 0 : i32
    %scan3A_74 = arith.constant 0 : i32
    %scan3A_75 = arith.constant 16 : i32
    %scan3A_76 = arith.addi %scan3A_74, %scan3A_75 : i32
    %scan3A_77 = arith.constant 1 : i32
    scf.for %scan3A_691 = %scan3A_74 to %scan3A_76 step %scan3A_77  : i32 {
      %jit3A_692 = arith.constant 8 : i32
      %div3A_693 = arith.divsi %scan3A_691, %jit3A_692 : i32
      %sign3A_694 = arith.constant 0 : i32
      %sign3A_695 = arith.cmpi sgt, %scan3A_691, %sign3A_694 : i32
      %sign3A_696 = arith.extui %sign3A_695 : i1 to i32
      %sign3A_697 = arith.constant 0 : i32
      %sign3A_698 = arith.cmpi slt, %scan3A_691, %sign3A_697 : i32
      %sign3A_699 = arith.extui %sign3A_698 : i1 to i32
      %sign3A_700 = arith.subi %sign3A_696, %sign3A_699 : i32
      %sign3A_701 = arith.constant 0 : i32
      %sign3A_702 = arith.cmpi sgt, %jit3A_692, %sign3A_701 : i32
      %sign3A_703 = arith.extui %sign3A_702 : i1 to i32
      %sign3A_704 = arith.constant 0 : i32
      %sign3A_705 = arith.cmpi slt, %jit3A_692, %sign3A_704 : i32
      %sign3A_706 = arith.extui %sign3A_705 : i1 to i32
      %sign3A_707 = arith.subi %sign3A_703, %sign3A_706 : i32
      %ne3A_708 = arith.cmpi ne, %sign3A_700, %sign3A_707 : i32
      %rem3A_709 = arith.remsi %scan3A_691, %jit3A_692 : i32
      %ne3A_710 = arith.constant 0 : i32
      %ne3A_711 = arith.cmpi ne, %rem3A_709, %ne3A_710 : i32
      %and3A_712 = arith.andi %ne3A_708, %ne3A_711 : i1
      %sub3A_713 = arith.constant 1 : i32
      %sub3A_714 = arith.subi %div3A_693, %sub3A_713 : i32
      %select_n3A_715 = arith.select %and3A_712, %sub3A_714, %div3A_693 : i32
      %mul3A_716 = arith.constant 8 : i32
      %mul3A_717 = arith.muli %select_n3A_715, %mul3A_716 : i32
      %sub3A_718 = arith.subi %scan3A_691, %mul3A_717 : i32
      %mul3A_719 = arith.constant 2 : i32
      %mul3A_720 = arith.muli %select_n3A_715, %mul3A_719 : i32
      %mul3A_721 = arith.constant 8 : i32
      %mul3A_722 = arith.muli %mul3A_720, %mul3A_721 : i32
      %mul3A_723 = arith.constant 128 : i32
      %mul3A_724 = arith.muli %mul3A_722, %mul3A_723 : i32
      %mul3A_725 = arith.constant 128 : i32
      %mul3A_726 = arith.muli %sub3A_718, %mul3A_725 : i32
      %add3A_727 = arith.addi %mul3A_724, %mul3A_726 : i32
      %multiple_of3A_728 = tpu.assume_multiple %add3A_727, 128 : i32
      %mul3A_729 = arith.constant 4 : i32
      %mul3A_730 = arith.muli %select_n3A_715, %mul3A_729 : i32
      %mul3A_731 = arith.constant 8 : i32
      %mul3A_732 = arith.muli %mul3A_730, %mul3A_731 : i32
      %mul3A_733 = arith.constant 128 : i32
      %mul3A_734 = arith.muli %mul3A_732, %mul3A_733 : i32
      %mul3A_735 = arith.constant 128 : i32
      %mul3A_736 = arith.muli %sub3A_718, %mul3A_735 : i32
      %add3A_737 = arith.addi %mul3A_734, %mul3A_736 : i32
      %multiple_of3A_738 = tpu.assume_multiple %add3A_737, 128 : i32
      %add3A_739 = arith.constant 0 : i32
      %add3A_740 = arith.addi %multiple_of3A_738, %add3A_739 : i32
      %add3A_741 = arith.constant 0 : i32
      %add3A_742 = arith.addi %multiple_of3A_728, %add3A_741 : i32
      %add3A_743 = arith.constant 0 : i32
      %add3A_744 = arith.addi %add3A_742, %add3A_743 : i32
      %get3A_745 = arith.index_cast %add3A_744 : i32 to index
      %get3A_746 = tpu.vector_load %arg5[%get3A_745] {strides = array<i32>} : memref<8192xf32, #tpu.memory_space<vmem>>, vector<16xf32>,
      %add3A_747 = arith.constant 0 : i32
      %add3A_748 = arith.addi %add3A_740, %add3A_747 : i32
      %swap3A = arith.index_cast %add3A_748 : i32 to index
      %swap3A_749 = tpu.vector_load %arg7[%swap3A] {strides = array<i32>} : memref<16384xf32, #tpu.memory_space<vmem>>, vector<16xf32>,
      tpu.vector_store %arg7[%swap3A], %get3A_746 {strides = array<i32>} : memref<16384xf32, #tpu.memory_space<vmem>>, vector<16xf32>,
      %add3A_750 = arith.constant 16 : i32
      %add3A_751 = arith.addi %add3A_742, %add3A_750 : i32
      %get3A_752 = arith.index_cast %add3A_751 : i32 to index
      %get3A_753 = tpu.vector_load %arg5[%get3A_752] {strides = array<i32>} : memref<8192xf32, #tpu.memory_space<vmem>>, vector<16xf32>,
      %add3A_754 = arith.constant 16 : i32
      %add3A_755 = arith.addi %add3A_740, %add3A_754 : i32
      %swap3A_756 = arith.index_cast %add3A_755 : i32 to index
      %swap3A_757 = tpu.vector_load %arg7[%swap3A_756] {strides = array<i32>} : memref<16384xf32, #tpu.memory_space<vmem>>, vector<16xf32>,
      tpu.vector_store %arg7[%swap3A_756], %get3A_753 {strides = array<i32>} : memref<16384xf32, #tpu.memory_space<vmem>>, vector<16xf32>,
      %add3A_758 = arith.constant 32 : i32
      %add3A_759 = arith.addi %add3A_742, %add3A_758 : i32
      %get3A_760 = arith.index_cast %add3A_759 : i32 to index
      %get3A_761 = tpu.vector_load %arg5[%get3A_760] {strides = array<i32>} : memref<8192xf32, #tpu.memory_space<vmem>>, vector<16xf32>,
      %add3A_762 = arith.constant 32 : i32
      %add3A_763 = arith.addi %add3A_740, %add3A_762 : i32
      %swap3A_764 = arith.index_cast %add3A_763 : i32 to index
      %swap3A_765 = tpu.vector_load %arg7[%swap3A_764] {strides = array<i32>} : memref<16384xf32, #tpu.memory_space<vmem>>, vector<16xf32>,
      tpu.vector_store %arg7[%swap3A_764], %get3A_761 {strides = array<i32>} : memref<16384xf32, #tpu.memory_space<vmem>>, vector<16xf32>,
      %add3A_766 = arith.constant 48 : i32
      %add3A_767 = arith.addi %add3A_742, %add3A_766 : i32
      %get3A_768 = arith.index_cast %add3A_767 : i32 to index
      %get3A_769 = tpu.vector_load %arg5[%get3A_768] {strides = array<i32>} : memref<8192xf32, #tpu.memory_space<vmem>>, vector<16xf32>,
      %add3A_770 = arith.constant 48 : i32
      %add3A_771 = arith.addi %add3A_740, %add3A_770 : i32
      %swap3A_772 = arith.index_cast %add3A_771 : i32 to index
      %swap3A_773 = tpu.vector_load %arg7[%swap3A_772] {strides = array<i32>} : memref<16384xf32, #tpu.memory_space<vmem>>, vector<16xf32>,
      tpu.vector_store %arg7[%swap3A_772], %get3A_769 {strides = array<i32>} : memref<16384xf32, #tpu.memory_space<vmem>>, vector<16xf32>,
      %add3A_774 = arith.constant 64 : i32
      %add3A_775 = arith.addi %add3A_742, %add3A_774 : i32
      %get3A_776 = arith.index_cast %add3A_775 : i32 to index
      %get3A_777 = tpu.vector_load %arg5[%get3A_776] {strides = array<i32>} : memref<8192xf32, #tpu.memory_space<vmem>>, vector<16xf32>,
      %add3A_778 = arith.constant 64 : i32
      %add3A_779 = arith.addi %add3A_740, %add3A_778 : i32
      %swap3A_780 = arith.index_cast %add3A_779 : i32 to index
      %swap3A_781 = tpu.vector_load %arg7[%swap3A_780] {strides = array<i32>} : memref<16384xf32, #tpu.memory_space<vmem>>, vector<16xf32>,
      tpu.vector_store %arg7[%swap3A_780], %get3A_777 {strides = array<i32>} : memref<16384xf32, #tpu.memory_space<vmem>>, vector<16xf32>,
      %add3A_782 = arith.constant 80 : i32
      %add3A_783 = arith.addi %add3A_742, %add3A_782 : i32
      %get3A_784 = arith.index_cast %add3A_783 : i32 to index
      %get3A_785 = tpu.vector_load %arg5[%get3A_784] {strides = array<i32>} : memref<8192xf32, #tpu.memory_space<vmem>>, vector<16xf32>,
      %add3A_786 = arith.constant 80 : i32
      %add3A_787 = arith.addi %add3A_740, %add3A_786 : i32
      %swap3A_788 = arith.index_cast %add3A_787 : i32 to index
      %swap3A_789 = tpu.vector_load %arg7[%swap3A_788] {strides = array<i32>} : memref<16384xf32, #tpu.memory_space<vmem>>, vector<16xf32>,
      tpu.vector_store %arg7[%swap3A_788], %get3A_785 {strides = array<i32>} : memref<16384xf32, #tpu.memory_space<vmem>>, vector<16xf32>,
      %add3A_790 = arith.constant 96 : i32
      %add3A_791 = arith.addi %add3A_742, %add3A_790 : i32
      %get3A_792 = arith.index_cast %add3A_791 : i32 to index
      %get3A_793 = tpu.vector_load %arg5[%get3A_792] {strides = array<i32>} : memref<8192xf32, #tpu.memory_space<vmem>>, vector<16xf32>,
      %add3A_794 = arith.constant 96 : i32
      %add3A_795 = arith.addi %add3A_740, %add3A_794 : i32
      %swap3A_796 = arith.index_cast %add3A_795 : i32 to index
      %swap3A_797 = tpu.vector_load %arg7[%swap3A_796] {strides = array<i32>} : memref<16384xf32, #tpu.memory_space<vmem>>, vector<16xf32>,
      tpu.vector_store %arg7[%swap3A_796], %get3A_793 {strides = array<i32>} : memref<16384xf32, #tpu.memory_space<vmem>>, vector<16xf32>,
      %add3A_798 = arith.constant 112 : i32
      %add3A_799 = arith.addi %add3A_742, %add3A_798 : i32
      %get3A_800 = arith.index_cast %add3A_799 : i32 to index
      %get3A_801 = tpu.vector_load %arg5[%get3A_800] {strides = array<i32>} : memref<8192xf32, #tpu.memory_space<vmem>>, vector<16xf32>,
      %add3A_802 = arith.constant 112 : i32
      %add3A_803 = arith.addi %add3A_740, %add3A_802 : i32
      %swap3A_804 = arith.index_cast %add3A_803 : i32 to index
      %swap3A_805 = tpu.vector_load %arg7[%swap3A_804] {strides = array<i32>} : memref<16384xf32, #tpu.memory_space<vmem>>, vector<16xf32>,
      tpu.vector_store %arg7[%swap3A_804], %get3A_801 {strides = array<i32>} : memref<16384xf32, #tpu.memory_space<vmem>>, vector<16xf32>,
      %add3A_806 = arith.constant 1024 : i32
      %add3A_807 = arith.addi %multiple_of3A_738, %add3A_806 : i32
      %add3A_808 = arith.constant 1024 : i32
      %add3A_809 = arith.addi %multiple_of3A_728, %add3A_808 : i32
      %add3A_810 = arith.constant 0 : i32
      %add3A_811 = arith.addi %add3A_809, %add3A_810 : i32
      %get3A_812 = arith.index_cast %add3A_811 : i32 to index
      %get3A_813 = tpu.vector_load %arg5[%get3A_812] {strides = array<i32>} : memref<8192xf32, #tpu.memory_space<vmem>>, vector<16xf32>,
      %add3A_814 = arith.constant 0 : i32
      %add3A_815 = arith.addi %add3A_807, %add3A_814 : i32
      %swap3A_816 = arith.index_cast %add3A_815 : i32 to index
      %swap3A_817 = tpu.vector_load %arg7[%swap3A_816] {strides = array<i32>} : memref<16384xf32, #tpu.memory_space<vmem>>, vector<16xf32>,
      tpu.vector_store %arg7[%swap3A_816], %get3A_813 {strides = array<i32>} : memref<16384xf32, #tpu.memory_space<vmem>>, vector<16xf32>,
      %add3A_818 = arith.constant 16 : i32
      %add3A_819 = arith.addi %add3A_809, %add3A_818 : i32
      %get3A_820 = arith.index_cast %add3A_819 : i32 to index
      %get3A_821 = tpu.vector_load %arg5[%get3A_820] {strides = array<i32>} : memref<8192xf32, #tpu.memory_space<vmem>>, vector<16xf32>,
      %add3A_822 = arith.constant 16 : i32
      %add3A_823 = arith.addi %add3A_807, %add3A_822 : i32
      %swap3A_824 = arith.index_cast %add3A_823 : i32 to index
      %swap3A_825 = tpu.vector_load %arg7[%swap3A_824] {strides = array<i32>} : memref<16384xf32, #tpu.memory_space<vmem>>, vector<16xf32>,
      tpu.vector_store %arg7[%swap3A_824], %get3A_821 {strides = array<i32>} : memref<16384xf32, #tpu.memory_space<vmem>>, vector<16xf32>,
      %add3A_826 = arith.constant 32 : i32
      %add3A_827 = arith.addi %add3A_809, %add3A_826 : i32
      %get3A_828 = arith.index_cast %add3A_827 : i32 to index
      %get3A_829 = tpu.vector_load %arg5[%get3A_828] {strides = array<i32>} : memref<8192xf32, #tpu.memory_space<vmem>>, vector<16xf32>,
      %add3A_830 = arith.constant 32 : i32
      %add3A_831 = arith.addi %add3A_807, %add3A_830 : i32
      %swap3A_832 = arith.index_cast %add3A_831 : i32 to index
      %swap3A_833 = tpu.vector_load %arg7[%swap3A_832] {strides = array<i32>} : memref<16384xf32, #tpu.memory_space<vmem>>, vector<16xf32>,
      tpu.vector_store %arg7[%swap3A_832], %get3A_829 {strides = array<i32>} : memref<16384xf32, #tpu.memory_space<vmem>>, vector<16xf32>,
      %add3A_834 = arith.constant 48 : i32
      %add3A_835 = arith.addi %add3A_809, %add3A_834 : i32
      %get3A_836 = arith.index_cast %add3A_835 : i32 to index
      %get3A_837 = tpu.vector_load %arg5[%get3A_836] {strides = array<i32>} : memref<8192xf32, #tpu.memory_space<vmem>>, vector<16xf32>,
      %add3A_838 = arith.constant 48 : i32
      %add3A_839 = arith.addi %add3A_807, %add3A_838 : i32
      %swap3A_840 = arith.index_cast %add3A_839 : i32 to index
      %swap3A_841 = tpu.vector_load %arg7[%swap3A_840] {strides = array<i32>} : memref<16384xf32, #tpu.memory_space<vmem>>, vector<16xf32>,
      tpu.vector_store %arg7[%swap3A_840], %get3A_837 {strides = array<i32>} : memref<16384xf32, #tpu.memory_space<vmem>>, vector<16xf32>,
      %add3A_842 = arith.constant 64 : i32
      %add3A_843 = arith.addi %add3A_809, %add3A_842 : i32
      %get3A_844 = arith.index_cast %add3A_843 : i32 to index
      %get3A_845 = tpu.vector_load %arg5[%get3A_844] {strides = array<i32>} : memref<8192xf32, #tpu.memory_space<vmem>>, vector<16xf32>,
      %add3A_846 = arith.constant 64 : i32
      %add3A_847 = arith.addi %add3A_807, %add3A_846 : i32
      %swap3A_848 = arith.index_cast %add3A_847 : i32 to index
      %swap3A_849 = tpu.vector_load %arg7[%swap3A_848] {strides = array<i32>} : memref<16384xf32, #tpu.memory_space<vmem>>, vector<16xf32>,
      tpu.vector_store %arg7[%swap3A_848], %get3A_845 {strides = array<i32>} : memref<16384xf32, #tpu.memory_space<vmem>>, vector<16xf32>,
      %add3A_850 = arith.constant 80 : i32
      %add3A_851 = arith.addi %add3A_809, %add3A_850 : i32
      %get3A_852 = arith.index_cast %add3A_851 : i32 to index
      %get3A_853 = tpu.vector_load %arg5[%get3A_852] {strides = array<i32>} : memref<8192xf32, #tpu.memory_space<vmem>>, vector<16xf32>,
      %add3A_854 = arith.constant 80 : i32
      %add3A_855 = arith.addi %add3A_807, %add3A_854 : i32
      %swap3A_856 = arith.index_cast %add3A_855 : i32 to index
      %swap3A_857 = tpu.vector_load %arg7[%swap3A_856] {strides = array<i32>} : memref<16384xf32, #tpu.memory_space<vmem>>, vector<16xf32>,
      tpu.vector_store %arg7[%swap3A_856], %get3A_853 {strides = array<i32>} : memref<16384xf32, #tpu.memory_space<vmem>>, vector<16xf32>,
      %add3A_858 = arith.constant 96 : i32
      %add3A_859 = arith.addi %add3A_809, %add3A_858 : i32
      %get3A_860 = arith.index_cast %add3A_859 : i32 to index
      %get3A_861 = tpu.vector_load %arg5[%get3A_860] {strides = array<i32>} : memref<8192xf32, #tpu.memory_space<vmem>>, vector<16xf32>,
      %add3A_862 = arith.constant 96 : i32
      %add3A_863 = arith.addi %add3A_807, %add3A_862 : i32
      %swap3A_864 = arith.index_cast %add3A_863 : i32 to index
      %swap3A_865 = tpu.vector_load %arg7[%swap3A_864] {strides = array<i32>} : memref<16384xf32, #tpu.memory_space<vmem>>, vector<16xf32>,
      tpu.vector_store %arg7[%swap3A_864], %get3A_861 {strides = array<i32>} : memref<16384xf32, #tpu.memory_space<vmem>>, vector<16xf32>,
      %add3A_866 = arith.constant 112 : i32
      %add3A_867 = arith.addi %add3A_809, %add3A_866 : i32
      %get3A_868 = arith.index_cast %add3A_867 : i32 to index
      %get3A_869 = tpu.vector_load %arg5[%get3A_868] {strides = array<i32>} : memref<8192xf32, #tpu.memory_space<vmem>>, vector<16xf32>,
      %add3A_870 = arith.constant 112 : i32
      %add3A_871 = arith.addi %add3A_807, %add3A_870 : i32
      %swap3A_872 = arith.index_cast %add3A_871 : i32 to index
      %swap3A_873 = tpu.vector_load %arg7[%swap3A_872] {strides = array<i32>} : memref<16384xf32, #tpu.memory_space<vmem>>, vector<16xf32>,
      tpu.vector_store %arg7[%swap3A_872], %get3A_869 {strides = array<i32>} : memref<16384xf32, #tpu.memory_space<vmem>>, vector<16xf32>,
      %add3A_874 = arith.constant 2048 : i32
      %add3A_875 = arith.addi %multiple_of3A_738, %add3A_874 : i32
      %add3A_876 = arith.constant 0 : i32
      %add3A_877 = arith.addi %add3A_875, %add3A_876 : i32
      %swap3A_878 = arith.index_cast %add3A_877 : i32 to index
      %swap3A_879 = tpu.vector_load %arg7[%swap3A_878] {strides = array<i32>} : memref<16384xf32, #tpu.memory_space<vmem>>, vector<16xf32>,
      tpu.vector_store %arg7[%swap3A_878], %get3A_43 {strides = array<i32>} : memref<16384xf32, #tpu.memory_space<vmem>>, vector<16xf32>,
      %add3A_880 = arith.constant 16 : i32
      %add3A_881 = arith.addi %add3A_875, %add3A_880 : i32
      %swap3A_882 = arith.index_cast %add3A_881 : i32 to index
      %swap3A_883 = tpu.vector_load %arg7[%swap3A_882] {strides = array<i32>} : memref<16384xf32, #tpu.memory_space<vmem>>, vector<16xf32>,
      tpu.vector_store %arg7[%swap3A_882], %get3A_45 {strides = array<i32>} : memref<16384xf32, #tpu.memory_space<vmem>>, vector<16xf32>,
      %add3A_884 = arith.constant 32 : i32
      %add3A_885 = arith.addi %add3A_875, %add3A_884 : i32
      %swap3A_886 = arith.index_cast %add3A_885 : i32 to index
      %swap3A_887 = tpu.vector_load %arg7[%swap3A_886] {strides = array<i32>} : memref<16384xf32, #tpu.memory_space<vmem>>, vector<16xf32>,
      tpu.vector_store %arg7[%swap3A_886], %get3A_47 {strides = array<i32>} : memref<16384xf32, #tpu.memory_space<vmem>>, vector<16xf32>,
      %add3A_888 = arith.constant 48 : i32
      %add3A_889 = arith.addi %add3A_875, %add3A_888 : i32
      %swap3A_890 = arith.index_cast %add3A_889 : i32 to index
      %swap3A_891 = tpu.vector_load %arg7[%swap3A_890] {strides = array<i32>} : memref<16384xf32, #tpu.memory_space<vmem>>, vector<16xf32>,
      tpu.vector_store %arg7[%swap3A_890], %get3A_49 {strides = array<i32>} : memref<16384xf32, #tpu.memory_space<vmem>>, vector<16xf32>,
      %add3A_892 = arith.constant 64 : i32
      %add3A_893 = arith.addi %add3A_875, %add3A_892 : i32
      %swap3A_894 = arith.index_cast %add3A_893 : i32 to index
      %swap3A_895 = tpu.vector_load %arg7[%swap3A_894] {strides = array<i32>} : memref<16384xf32, #tpu.memory_space<vmem>>, vector<16xf32>,
      tpu.vector_store %arg7[%swap3A_894], %get3A_51 {strides = array<i32>} : memref<16384xf32, #tpu.memory_space<vmem>>, vector<16xf32>,
      %add3A_896 = arith.constant 80 : i32
      %add3A_897 = arith.addi %add3A_875, %add3A_896 : i32
      %swap3A_898 = arith.index_cast %add3A_897 : i32 to index
      %swap3A_899 = tpu.vector_load %arg7[%swap3A_898] {strides = array<i32>} : memref<16384xf32, #tpu.memory_space<vmem>>, vector<16xf32>,
      tpu.vector_store %arg7[%swap3A_898], %get3A_53 {strides = array<i32>} : memref<16384xf32, #tpu.memory_space<vmem>>, vector<16xf32>,
      %add3A_900 = arith.constant 96 : i32
      %add3A_901 = arith.addi %add3A_875, %add3A_900 : i32
      %swap3A_902 = arith.index_cast %add3A_901 : i32 to index
      %swap3A_903 = tpu.vector_load %arg7[%swap3A_902] {strides = array<i32>} : memref<16384xf32, #tpu.memory_space<vmem>>, vector<16xf32>,
      tpu.vector_store %arg7[%swap3A_902], %get3A_55 {strides = array<i32>} : memref<16384xf32, #tpu.memory_space<vmem>>, vector<16xf32>,
      %add3A_904 = arith.constant 112 : i32
      %add3A_905 = arith.addi %add3A_875, %add3A_904 : i32
      %swap3A_906 = arith.index_cast %add3A_905 : i32 to index
      %swap3A_907 = tpu.vector_load %arg7[%swap3A_906] {strides = array<i32>} : memref<16384xf32, #tpu.memory_space<vmem>>, vector<16xf32>,
      tpu.vector_store %arg7[%swap3A_906], %get3A_57 {strides = array<i32>} : memref<16384xf32, #tpu.memory_space<vmem>>, vector<16xf32>,
      %add3A_908 = arith.constant 3072 : i32
      %add3A_909 = arith.addi %multiple_of3A_738, %add3A_908 : i32
      %add3A_910 = arith.constant 0 : i32
      %add3A_911 = arith.addi %add3A_909, %add3A_910 : i32
      %swap3A_912 = arith.index_cast %add3A_911 : i32 to index
      %swap3A_913 = tpu.vector_load %arg7[%swap3A_912] {strides = array<i32>} : memref<16384xf32, #tpu.memory_space<vmem>>, vector<16xf32>,
      tpu.vector_store %arg7[%swap3A_912], %get3A_59 {strides = array<i32>} : memref<16384xf32, #tpu.memory_space<vmem>>, vector<16xf32>,
      %add3A_914 = arith.constant 16 : i32
      %add3A_915 = arith.addi %add3A_909, %add3A_914 : i32
      %swap3A_916 = arith.index_cast %add3A_915 : i32 to index
      %swap3A_917 = tpu.vector_load %arg7[%swap3A_916] {strides = array<i32>} : memref<16384xf32, #tpu.memory_space<vmem>>, vector<16xf32>,
      tpu.vector_store %arg7[%swap3A_916], %get3A_61 {strides = array<i32>} : memref<16384xf32, #tpu.memory_space<vmem>>, vector<16xf32>,
      %add3A_918 = arith.constant 32 : i32
      %add3A_919 = arith.addi %add3A_909, %add3A_918 : i32
      %swap3A_920 = arith.index_cast %add3A_919 : i32 to index
      %swap3A_921 = tpu.vector_load %arg7[%swap3A_920] {strides = array<i32>} : memref<16384xf32, #tpu.memory_space<vmem>>, vector<16xf32>,
      tpu.vector_store %arg7[%swap3A_920], %get3A_63 {strides = array<i32>} : memref<16384xf32, #tpu.memory_space<vmem>>, vector<16xf32>,
      %add3A_922 = arith.constant 48 : i32
      %add3A_923 = arith.addi %add3A_909, %add3A_922 : i32
      %swap3A_924 = arith.index_cast %add3A_923 : i32 to index
      %swap3A_925 = tpu.vector_load %arg7[%swap3A_924] {strides = array<i32>} : memref<16384xf32, #tpu.memory_space<vmem>>, vector<16xf32>,
      tpu.vector_store %arg7[%swap3A_924], %get3A_65 {strides = array<i32>} : memref<16384xf32, #tpu.memory_space<vmem>>, vector<16xf32>,
      %add3A_926 = arith.constant 64 : i32
      %add3A_927 = arith.addi %add3A_909, %add3A_926 : i32
      %swap3A_928 = arith.index_cast %add3A_927 : i32 to index
      %swap3A_929 = tpu.vector_load %arg7[%swap3A_928] {strides = array<i32>} : memref<16384xf32, #tpu.memory_space<vmem>>, vector<16xf32>,
      tpu.vector_store %arg7[%swap3A_928], %get3A_67 {strides = array<i32>} : memref<16384xf32, #tpu.memory_space<vmem>>, vector<16xf32>,
      %add3A_930 = arith.constant 80 : i32
      %add3A_931 = arith.addi %add3A_909, %add3A_930 : i32
      %swap3A_932 = arith.index_cast %add3A_931 : i32 to index
      %swap3A_933 = tpu.vector_load %arg7[%swap3A_932] {strides = array<i32>} : memref<16384xf32, #tpu.memory_space<vmem>>, vector<16xf32>,
      tpu.vector_store %arg7[%swap3A_932], %get3A_69 {strides = array<i32>} : memref<16384xf32, #tpu.memory_space<vmem>>, vector<16xf32>,
      %add3A_934 = arith.constant 96 : i32
      %add3A_935 = arith.addi %add3A_909, %add3A_934 : i32
      %swap3A_936 = arith.index_cast %add3A_935 : i32 to index
      %swap3A_937 = tpu.vector_load %arg7[%swap3A_936] {strides = array<i32>} : memref<16384xf32, #tpu.memory_space<vmem>>, vector<16xf32>,
      tpu.vector_store %arg7[%swap3A_936], %get3A_71 {strides = array<i32>} : memref<16384xf32, #tpu.memory_space<vmem>>, vector<16xf32>,
      %add3A_938 = arith.constant 112 : i32
      %add3A_939 = arith.addi %add3A_909, %add3A_938 : i32
      %swap3A_940 = arith.index_cast %add3A_939 : i32 to index
      %swap3A_941 = tpu.vector_load %arg7[%swap3A_940] {strides = array<i32>} : memref<16384xf32, #tpu.memory_space<vmem>>, vector<16xf32>,
      tpu.vector_store %arg7[%swap3A_940], %get3A_73 {strides = array<i32>} : memref<16384xf32, #tpu.memory_space<vmem>>, vector<16xf32>,
    }
    %scan3A_78 = arith.constant 16 : i32
    %add3A_79 = arith.constant 0 : i32
    %add3A_80 = arith.addi %add3A_79, %add3A : i32
    %mul3A_81 = arith.constant 16384 : i32
    %mul3A_82 = arith.muli %add3A_80, %mul3A_81 : i32
    %add3A_83 = arith.constant 0 : i32
    %add3A_84 = arith.addi %mul3A_82, %add3A_83 : i32
    %multiple_of3A_85 = tpu.assume_multiple %add3A_84, 8192 : i32
    %dma_start3A = arith.constant 0 : i32
    %dma_start3A_86 = tpu.memref_slice %arg7[%dma_start3A] : memref<16384xf32, #tpu.memory_space<vmem>> -> memref<8192xf32, #tpu.memory_space<vmem>>
    %dma_start3A_87 = tpu.memref_slice %arg4[%multiple_of3A_85] : memref<8388608xf32, #tpu.memory_space<hbm>> -> memref<8192xf32, #tpu.memory_space<hbm>>
    %dma_start3A_88 = tpu.memref_slice %arg4[%multiple_of3A_85] : memref<8388608xf32, #tpu.memory_space<hbm>> -> memref<8192xf32, #tpu.memory_space<hbm>>
    %dma_start3A_89 = arith.constant 0 : i32
    %dma_start3A_90 = tpu.memref_slice %arg7[%dma_start3A_89] : memref<16384xf32, #tpu.memory_space<vmem>> -> memref<8192xf32, #tpu.memory_space<vmem>>
    tpu.enqueue_dma source(%dma_start3A_90 : memref<8192xf32, #tpu.memory_space<vmem>>) target(%dma_start3A_88 : memref<8192xf32, #tpu.memory_space<hbm>>) target_semaphore(%arg8 : memref<!tpu.dma_semaphore, #tpu.memory_space<semaphore_mem>>)
    %add3A_91 = arith.constant 32 : i32
    %add3A_92 = arith.addi %add3A_91, %add3A : i32
    %mul3A_93 = arith.constant 16384 : i32
    %mul3A_94 = arith.muli %add3A_92, %mul3A_93 : i32
    %add3A_95 = arith.constant 0 : i32
    %add3A_96 = arith.addi %mul3A_94, %add3A_95 : i32
    %multiple_of3A_97 = tpu.assume_multiple %add3A_96, 8192 : i32
    %dma_start3A_98 = arith.constant 0 : i32
    %dma_start3A_99 = tpu.memref_slice %arg7[%dma_start3A_98] : memref<16384xf32, #tpu.memory_space<vmem>> -> memref<8192xf32, #tpu.memory_space<vmem>>
    %dma_start3A_100 = tpu.memref_slice %arg4[%multiple_of3A_97] : memref<8388608xf32, #tpu.memory_space<hbm>> -> memref<8192xf32, #tpu.memory_space<hbm>>
    %dma_start3A_101 = tpu.memref_slice %arg4[%multiple_of3A_97] : memref<8388608xf32, #tpu.memory_space<hbm>> -> memref<8192xf32, #tpu.memory_space<hbm>>
    %dma_start3A_102 = arith.constant 0 : i32
    %dma_start3A_103 = tpu.memref_slice %arg7[%dma_start3A_102] : memref<16384xf32, #tpu.memory_space<vmem>> -> memref<8192xf32, #tpu.memory_space<vmem>>
    tpu.enqueue_dma source(%dma_start3A_103 : memref<8192xf32, #tpu.memory_space<vmem>>) target(%dma_start3A_101 : memref<8192xf32, #tpu.memory_space<hbm>>) target_semaphore(%arg8 : memref<!tpu.dma_semaphore, #tpu.memory_space<semaphore_mem>>)
    %add3A_104 = arith.constant 64 : i32
    %add3A_105 = arith.addi %add3A_104, %add3A : i32
    %mul3A_106 = arith.constant 16384 : i32
    %mul3A_107 = arith.muli %add3A_105, %mul3A_106 : i32
    %add3A_108 = arith.constant 0 : i32
    %add3A_109 = arith.addi %mul3A_107, %add3A_108 : i32
    %multiple_of3A_110 = tpu.assume_multiple %add3A_109, 8192 : i32
    %dma_start3A_111 = arith.constant 0 : i32
    %dma_start3A_112 = tpu.memref_slice %arg7[%dma_start3A_111] : memref<16384xf32, #tpu.memory_space<vmem>> -> memref<8192xf32, #tpu.memory_space<vmem>>
    %dma_start3A_113 = tpu.memref_slice %arg4[%multiple_of3A_110] : memref<8388608xf32, #tpu.memory_space<hbm>> -> memref<8192xf32, #tpu.memory_space<hbm>>
    %dma_start3A_114 = tpu.memref_slice %arg4[%multiple_of3A_110] : memref<8388608xf32, #tpu.memory_space<hbm>> -> memref<8192xf32, #tpu.memory_space<hbm>>
    %dma_start3A_115 = arith.constant 0 : i32
    %dma_start3A_116 = tpu.memref_slice %arg7[%dma_start3A_115] : memref<16384xf32, #tpu.memory_space<vmem>> -> memref<8192xf32, #tpu.memory_space<vmem>>
    tpu.enqueue_dma source(%dma_start3A_116 : memref<8192xf32, #tpu.memory_space<vmem>>) target(%dma_start3A_114 : memref<8192xf32, #tpu.memory_space<hbm>>) target_semaphore(%arg8 : memref<!tpu.dma_semaphore, #tpu.memory_space<semaphore_mem>>)
    %add3A_117 = arith.constant 96 : i32
    %add3A_118 = arith.addi %add3A_117, %add3A : i32
    %mul3A_119 = arith.constant 16384 : i32
    %mul3A_120 = arith.muli %add3A_118, %mul3A_119 : i32
    %add3A_121 = arith.constant 0 : i32
    %add3A_122 = arith.addi %mul3A_120, %add3A_121 : i32
    %multiple_of3A_123 = tpu.assume_multiple %add3A_122, 8192 : i32
    %dma_start3A_124 = arith.constant 0 : i32
    %dma_start3A_125 = tpu.memref_slice %arg7[%dma_start3A_124] : memref<16384xf32, #tpu.memory_space<vmem>> -> memref<8192xf32, #tpu.memory_space<vmem>>
    %dma_start3A_126 = tpu.memref_slice %arg4[%multiple_of3A_123] : memref<8388608xf32, #tpu.memory_space<hbm>> -> memref<8192xf32, #tpu.memory_space<hbm>>
    %dma_start3A_127 = tpu.memref_slice %arg4[%multiple_of3A_123] : memref<8388608xf32, #tpu.memory_space<hbm>> -> memref<8192xf32, #tpu.memory_space<hbm>>
    %dma_start3A_128 = arith.constant 0 : i32
    %dma_start3A_129 = tpu.memref_slice %arg7[%dma_start3A_128] : memref<16384xf32, #tpu.memory_space<vmem>> -> memref<8192xf32, #tpu.memory_space<vmem>>
    tpu.enqueue_dma source(%dma_start3A_129 : memref<8192xf32, #tpu.memory_space<vmem>>) target(%dma_start3A_127 : memref<8192xf32, #tpu.memory_space<hbm>>) target_semaphore(%arg8 : memref<!tpu.dma_semaphore, #tpu.memory_space<semaphore_mem>>)
    %add3A_130 = arith.constant 128 : i32
    %add3A_131 = arith.addi %add3A_130, %add3A : i32
    %mul3A_132 = arith.constant 16384 : i32
    %mul3A_133 = arith.muli %add3A_131, %mul3A_132 : i32
    %add3A_134 = arith.constant 0 : i32
    %add3A_135 = arith.addi %mul3A_133, %add3A_134 : i32
    %multiple_of3A_136 = tpu.assume_multiple %add3A_135, 8192 : i32
    %dma_start3A_137 = arith.constant 0 : i32
    %dma_start3A_138 = tpu.memref_slice %arg7[%dma_start3A_137] : memref<16384xf32, #tpu.memory_space<vmem>> -> memref<8192xf32, #tpu.memory_space<vmem>>
    %dma_start3A_139 = tpu.memref_slice %arg4[%multiple_of3A_136] : memref<8388608xf32, #tpu.memory_space<hbm>> -> memref<8192xf32, #tpu.memory_space<hbm>>
    %dma_start3A_140 = tpu.memref_slice %arg4[%multiple_of3A_136] : memref<8388608xf32, #tpu.memory_space<hbm>> -> memref<8192xf32, #tpu.memory_space<hbm>>
    %dma_start3A_141 = arith.constant 0 : i32
    %dma_start3A_142 = tpu.memref_slice %arg7[%dma_start3A_141] : memref<16384xf32, #tpu.memory_space<vmem>> -> memref<8192xf32, #tpu.memory_space<vmem>>
    tpu.enqueue_dma source(%dma_start3A_142 : memref<8192xf32, #tpu.memory_space<vmem>>) target(%dma_start3A_140 : memref<8192xf32, #tpu.memory_space<hbm>>) target_semaphore(%arg8 : memref<!tpu.dma_semaphore, #tpu.memory_space<semaphore_mem>>)
    %add3A_143 = arith.constant 160 : i32
    %add3A_144 = arith.addi %add3A_143, %add3A : i32
    %mul3A_145 = arith.constant 16384 : i32
    %mul3A_146 = arith.muli %add3A_144, %mul3A_145 : i32
    %add3A_147 = arith.constant 0 : i32
    %add3A_148 = arith.addi %mul3A_146, %add3A_147 : i32
    %multiple_of3A_149 = tpu.assume_multiple %add3A_148, 8192 : i32
    %dma_start3A_150 = arith.constant 0 : i32
    %dma_start3A_151 = tpu.memref_slice %arg7[%dma_start3A_150] : memref<16384xf32, #tpu.memory_space<vmem>> -> memref<8192xf32, #tpu.memory_space<vmem>>
    %dma_start3A_152 = tpu.memref_slice %arg4[%multiple_of3A_149] : memref<8388608xf32, #tpu.memory_space<hbm>> -> memref<8192xf32, #tpu.memory_space<hbm>>
    %dma_start3A_153 = tpu.memref_slice %arg4[%multiple_of3A_149] : memref<8388608xf32, #tpu.memory_space<hbm>> -> memref<8192xf32, #tpu.memory_space<hbm>>
    %dma_start3A_154 = arith.constant 0 : i32
    %dma_start3A_155 = tpu.memref_slice %arg7[%dma_start3A_154] : memref<16384xf32, #tpu.memory_space<vmem>> -> memref<8192xf32, #tpu.memory_space<vmem>>
    tpu.enqueue_dma source(%dma_start3A_155 : memref<8192xf32, #tpu.memory_space<vmem>>) target(%dma_start3A_153 : memref<8192xf32, #tpu.memory_space<hbm>>) target_semaphore(%arg8 : memref<!tpu.dma_semaphore, #tpu.memory_space<semaphore_mem>>)
    %add3A_156 = arith.constant 192 : i32
    %add3A_157 = arith.addi %add3A_156, %add3A : i32
    %mul3A_158 = arith.constant 16384 : i32
    %mul3A_159 = arith.muli %add3A_157, %mul3A_158 : i32
    %add3A_160 = arith.constant 0 : i32
    %add3A_161 = arith.addi %mul3A_159, %add3A_160 : i32
    %multiple_of3A_162 = tpu.assume_multiple %add3A_161, 8192 : i32
    %dma_start3A_163 = arith.constant 0 : i32
    %dma_start3A_164 = tpu.memref_slice %arg7[%dma_start3A_163] : memref<16384xf32, #tpu.memory_space<vmem>> -> memref<8192xf32, #tpu.memory_space<vmem>>
    %dma_start3A_165 = tpu.memref_slice %arg4[%multiple_of3A_162] : memref<8388608xf32, #tpu.memory_space<hbm>> -> memref<8192xf32, #tpu.memory_space<hbm>>
    %dma_start3A_166 = tpu.memref_slice %arg4[%multiple_of3A_162] : memref<8388608xf32, #tpu.memory_space<hbm>> -> memref<8192xf32, #tpu.memory_space<hbm>>
    %dma_start3A_167 = arith.constant 0 : i32
    %dma_start3A_168 = tpu.memref_slice %arg7[%dma_start3A_167] : memref<16384xf32, #tpu.memory_space<vmem>> -> memref<8192xf32, #tpu.memory_space<vmem>>
    tpu.enqueue_dma source(%dma_start3A_168 : memref<8192xf32, #tpu.memory_space<vmem>>) target(%dma_start3A_166 : memref<8192xf32, #tpu.memory_space<hbm>>) target_semaphore(%arg8 : memref<!tpu.dma_semaphore, #tpu.memory_space<semaphore_mem>>)
    %add3A_169 = arith.constant 224 : i32
    %add3A_170 = arith.addi %add3A_169, %add3A : i32
    %mul3A_171 = arith.constant 16384 : i32
    %mul3A_172 = arith.muli %add3A_170, %mul3A_171 : i32
    %add3A_173 = arith.constant 0 : i32
    %add3A_174 = arith.addi %mul3A_172, %add3A_173 : i32
    %multiple_of3A_175 = tpu.assume_multiple %add3A_174, 8192 : i32
    %dma_start3A_176 = arith.constant 0 : i32
    %dma_start3A_177 = tpu.memref_slice %arg7[%dma_start3A_176] : memref<16384xf32, #tpu.memory_space<vmem>> -> memref<8192xf32, #tpu.memory_space<vmem>>
    %dma_start3A_178 = tpu.memref_slice %arg4[%multiple_of3A_175] : memref<8388608xf32, #tpu.memory_space<hbm>> -> memref<8192xf32, #tpu.memory_space<hbm>>
    %dma_start3A_179 = tpu.memref_slice %arg4[%multiple_of3A_175] : memref<8388608xf32, #tpu.memory_space<hbm>> -> memref<8192xf32, #tpu.memory_space<hbm>>
    %dma_start3A_180 = arith.constant 0 : i32
    %dma_start3A_181 = tpu.memref_slice %arg7[%dma_start3A_180] : memref<16384xf32, #tpu.memory_space<vmem>> -> memref<8192xf32, #tpu.memory_space<vmem>>
    tpu.enqueue_dma source(%dma_start3A_181 : memref<8192xf32, #tpu.memory_space<vmem>>) target(%dma_start3A_179 : memref<8192xf32, #tpu.memory_space<hbm>>) target_semaphore(%arg8 : memref<!tpu.dma_semaphore, #tpu.memory_space<semaphore_mem>>)
    %add3A_182 = arith.constant 256 : i32
    %add3A_183 = arith.addi %add3A_182, %add3A : i32
    %mul3A_184 = arith.constant 16384 : i32
    %mul3A_185 = arith.muli %add3A_183, %mul3A_184 : i32
    %add3A_186 = arith.constant 0 : i32
    %add3A_187 = arith.addi %mul3A_185, %add3A_186 : i32
    %multiple_of3A_188 = tpu.assume_multiple %add3A_187, 8192 : i32
    %dma_start3A_189 = arith.constant 0 : i32
    %dma_start3A_190 = tpu.memref_slice %arg7[%dma_start3A_189] : memref<16384xf32, #tpu.memory_space<vmem>> -> memref<8192xf32, #tpu.memory_space<vmem>>
    %dma_start3A_191 = tpu.memref_slice %arg4[%multiple_of3A_188] : memref<8388608xf32, #tpu.memory_space<hbm>> -> memref<8192xf32, #tpu.memory_space<hbm>>
    %dma_start3A_192 = tpu.memref_slice %arg4[%multiple_of3A_188] : memref<8388608xf32, #tpu.memory_space<hbm>> -> memref<8192xf32, #tpu.memory_space<hbm>>
    %dma_start3A_193 = arith.constant 0 : i32
    %dma_start3A_194 = tpu.memref_slice %arg7[%dma_start3A_193] : memref<16384xf32, #tpu.memory_space<vmem>> -> memref<8192xf32, #tpu.memory_space<vmem>>
    tpu.enqueue_dma source(%dma_start3A_194 : memref<8192xf32, #tpu.memory_space<vmem>>) target(%dma_start3A_192 : memref<8192xf32, #tpu.memory_space<hbm>>) target_semaphore(%arg8 : memref<!tpu.dma_semaphore, #tpu.memory_space<semaphore_mem>>)
    %add3A_195 = arith.constant 288 : i32
    %add3A_196 = arith.addi %add3A_195, %add3A : i32
    %mul3A_197 = arith.constant 16384 : i32
    %mul3A_198 = arith.muli %add3A_196, %mul3A_197 : i32
    %add3A_199 = arith.constant 0 : i32
    %add3A_200 = arith.addi %mul3A_198, %add3A_199 : i32
    %multiple_of3A_201 = tpu.assume_multiple %add3A_200, 8192 : i32
    %dma_start3A_202 = arith.constant 0 : i32
    %dma_start3A_203 = tpu.memref_slice %arg7[%dma_start3A_202] : memref<16384xf32, #tpu.memory_space<vmem>> -> memref<8192xf32, #tpu.memory_space<vmem>>
    %dma_start3A_204 = tpu.memref_slice %arg4[%multiple_of3A_201] : memref<8388608xf32, #tpu.memory_space<hbm>> -> memref<8192xf32, #tpu.memory_space<hbm>>
    %dma_start3A_205 = tpu.memref_slice %arg4[%multiple_of3A_201] : memref<8388608xf32, #tpu.memory_space<hbm>> -> memref<8192xf32, #tpu.memory_space<hbm>>
    %dma_start3A_206 = arith.constant 0 : i32
    %dma_start3A_207 = tpu.memref_slice %arg7[%dma_start3A_206] : memref<16384xf32, #tpu.memory_space<vmem>> -> memref<8192xf32, #tpu.memory_space<vmem>>
    tpu.enqueue_dma source(%dma_start3A_207 : memref<8192xf32, #tpu.memory_space<vmem>>) target(%dma_start3A_205 : memref<8192xf32, #tpu.memory_space<hbm>>) target_semaphore(%arg8 : memref<!tpu.dma_semaphore, #tpu.memory_space<semaphore_mem>>)
    %add3A_208 = arith.constant 320 : i32
    %add3A_209 = arith.addi %add3A_208, %add3A : i32
    %mul3A_210 = arith.constant 16384 : i32
    %mul3A_211 = arith.muli %add3A_209, %mul3A_210 : i32
    %add3A_212 = arith.constant 0 : i32
    %add3A_213 = arith.addi %mul3A_211, %add3A_212 : i32
    %multiple_of3A_214 = tpu.assume_multiple %add3A_213, 8192 : i32
    %dma_start3A_215 = arith.constant 0 : i32
    %dma_start3A_216 = tpu.memref_slice %arg7[%dma_start3A_215] : memref<16384xf32, #tpu.memory_space<vmem>> -> memref<8192xf32, #tpu.memory_space<vmem>>
    %dma_start3A_217 = tpu.memref_slice %arg4[%multiple_of3A_214] : memref<8388608xf32, #tpu.memory_space<hbm>> -> memref<8192xf32, #tpu.memory_space<hbm>>
    %dma_start3A_218 = tpu.memref_slice %arg4[%multiple_of3A_214] : memref<8388608xf32, #tpu.memory_space<hbm>> -> memref<8192xf32, #tpu.memory_space<hbm>>
    %dma_start3A_219 = arith.constant 0 : i32
    %dma_start3A_220 = tpu.memref_slice %arg7[%dma_start3A_219] : memref<16384xf32, #tpu.memory_space<vmem>> -> memref<8192xf32, #tpu.memory_space<vmem>>
    tpu.enqueue_dma source(%dma_start3A_220 : memref<8192xf32, #tpu.memory_space<vmem>>) target(%dma_start3A_218 : memref<8192xf32, #tpu.memory_space<hbm>>) target_semaphore(%arg8 : memref<!tpu.dma_semaphore, #tpu.memory_space<semaphore_mem>>)
    %add3A_221 = arith.constant 352 : i32
    %add3A_222 = arith.addi %add3A_221, %add3A : i32
    %mul3A_223 = arith.constant 16384 : i32
    %mul3A_224 = arith.muli %add3A_222, %mul3A_223 : i32
    %add3A_225 = arith.constant 0 : i32
    %add3A_226 = arith.addi %mul3A_224, %add3A_225 : i32
    %multiple_of3A_227 = tpu.assume_multiple %add3A_226, 8192 : i32
    %dma_start3A_228 = arith.constant 0 : i32
    %dma_start3A_229 = tpu.memref_slice %arg7[%dma_start3A_228] : memref<16384xf32, #tpu.memory_space<vmem>> -> memref<8192xf32, #tpu.memory_space<vmem>>
    %dma_start3A_230 = tpu.memref_slice %arg4[%multiple_of3A_227] : memref<8388608xf32, #tpu.memory_space<hbm>> -> memref<8192xf32, #tpu.memory_space<hbm>>
    %dma_start3A_231 = tpu.memref_slice %arg4[%multiple_of3A_227] : memref<8388608xf32, #tpu.memory_space<hbm>> -> memref<8192xf32, #tpu.memory_space<hbm>>
    %dma_start3A_232 = arith.constant 0 : i32
    %dma_start3A_233 = tpu.memref_slice %arg7[%dma_start3A_232] : memref<16384xf32, #tpu.memory_space<vmem>> -> memref<8192xf32, #tpu.memory_space<vmem>>
    tpu.enqueue_dma source(%dma_start3A_233 : memref<8192xf32, #tpu.memory_space<vmem>>) target(%dma_start3A_231 : memref<8192xf32, #tpu.memory_space<hbm>>) target_semaphore(%arg8 : memref<!tpu.dma_semaphore, #tpu.memory_space<semaphore_mem>>)
    %add3A_234 = arith.constant 384 : i32
    %add3A_235 = arith.addi %add3A_234, %add3A : i32
    %mul3A_236 = arith.constant 16384 : i32
    %mul3A_237 = arith.muli %add3A_235, %mul3A_236 : i32
    %add3A_238 = arith.constant 0 : i32
    %add3A_239 = arith.addi %mul3A_237, %add3A_238 : i32
    %multiple_of3A_240 = tpu.assume_multiple %add3A_239, 8192 : i32
    %dma_start3A_241 = arith.constant 0 : i32
    %dma_start3A_242 = tpu.memref_slice %arg7[%dma_start3A_241] : memref<16384xf32, #tpu.memory_space<vmem>> -> memref<8192xf32, #tpu.memory_space<vmem>>
    %dma_start3A_243 = tpu.memref_slice %arg4[%multiple_of3A_240] : memref<8388608xf32, #tpu.memory_space<hbm>> -> memref<8192xf32, #tpu.memory_space<hbm>>
    %dma_start3A_244 = tpu.memref_slice %arg4[%multiple_of3A_240] : memref<8388608xf32, #tpu.memory_space<hbm>> -> memref<8192xf32, #tpu.memory_space<hbm>>
    %dma_start3A_245 = arith.constant 0 : i32
    %dma_start3A_246 = tpu.memref_slice %arg7[%dma_start3A_245] : memref<16384xf32, #tpu.memory_space<vmem>> -> memref<8192xf32, #tpu.memory_space<vmem>>
    tpu.enqueue_dma source(%dma_start3A_246 : memref<8192xf32, #tpu.memory_space<vmem>>) target(%dma_start3A_244 : memref<8192xf32, #tpu.memory_space<hbm>>) target_semaphore(%arg8 : memref<!tpu.dma_semaphore, #tpu.memory_space<semaphore_mem>>)
    %add3A_247 = arith.constant 416 : i32
    %add3A_248 = arith.addi %add3A_247, %add3A : i32
    %mul3A_249 = arith.constant 16384 : i32
    %mul3A_250 = arith.muli %add3A_248, %mul3A_249 : i32
    %add3A_251 = arith.constant 0 : i32
    %add3A_252 = arith.addi %mul3A_250, %add3A_251 : i32
    %multiple_of3A_253 = tpu.assume_multiple %add3A_252, 8192 : i32
    %dma_start3A_254 = arith.constant 0 : i32
    %dma_start3A_255 = tpu.memref_slice %arg7[%dma_start3A_254] : memref<16384xf32, #tpu.memory_space<vmem>> -> memref<8192xf32, #tpu.memory_space<vmem>>
    %dma_start3A_256 = tpu.memref_slice %arg4[%multiple_of3A_253] : memref<8388608xf32, #tpu.memory_space<hbm>> -> memref<8192xf32, #tpu.memory_space<hbm>>
    %dma_start3A_257 = tpu.memref_slice %arg4[%multiple_of3A_253] : memref<8388608xf32, #tpu.memory_space<hbm>> -> memref<8192xf32, #tpu.memory_space<hbm>>
    %dma_start3A_258 = arith.constant 0 : i32
    %dma_start3A_259 = tpu.memref_slice %arg7[%dma_start3A_258] : memref<16384xf32, #tpu.memory_space<vmem>> -> memref<8192xf32, #tpu.memory_space<vmem>>
    tpu.enqueue_dma source(%dma_start3A_259 : memref<8192xf32, #tpu.memory_space<vmem>>) target(%dma_start3A_257 : memref<8192xf32, #tpu.memory_space<hbm>>) target_semaphore(%arg8 : memref<!tpu.dma_semaphore, #tpu.memory_space<semaphore_mem>>)
    %add3A_260 = arith.constant 448 : i32
    %add3A_261 = arith.addi %add3A_260, %add3A : i32
    %mul3A_262 = arith.constant 16384 : i32
    %mul3A_263 = arith.muli %add3A_261, %mul3A_262 : i32
    %add3A_264 = arith.constant 0 : i32
    %add3A_265 = arith.addi %mul3A_263, %add3A_264 : i32
    %multiple_of3A_266 = tpu.assume_multiple %add3A_265, 8192 : i32
    %dma_start3A_267 = arith.constant 0 : i32
    %dma_start3A_268 = tpu.memref_slice %arg7[%dma_start3A_267] : memref<16384xf32, #tpu.memory_space<vmem>> -> memref<8192xf32, #tpu.memory_space<vmem>>
    %dma_start3A_269 = tpu.memref_slice %arg4[%multiple_of3A_266] : memref<8388608xf32, #tpu.memory_space<hbm>> -> memref<8192xf32, #tpu.memory_space<hbm>>
    %dma_start3A_270 = tpu.memref_slice %arg4[%multiple_of3A_266] : memref<8388608xf32, #tpu.memory_space<hbm>> -> memref<8192xf32, #tpu.memory_space<hbm>>
    %dma_start3A_271 = arith.constant 0 : i32
    %dma_start3A_272 = tpu.memref_slice %arg7[%dma_start3A_271] : memref<16384xf32, #tpu.memory_space<vmem>> -> memref<8192xf32, #tpu.memory_space<vmem>>
    tpu.enqueue_dma source(%dma_start3A_272 : memref<8192xf32, #tpu.memory_space<vmem>>) target(%dma_start3A_270 : memref<8192xf32, #tpu.memory_space<hbm>>) target_semaphore(%arg8 : memref<!tpu.dma_semaphore, #tpu.memory_space<semaphore_mem>>)
    %add3A_273 = arith.constant 480 : i32
    %add3A_274 = arith.addi %add3A_273, %add3A : i32
    %mul3A_275 = arith.constant 16384 : i32
    %mul3A_276 = arith.muli %add3A_274, %mul3A_275 : i32
    %add3A_277 = arith.constant 0 : i32
    %add3A_278 = arith.addi %mul3A_276, %add3A_277 : i32
    %multiple_of3A_279 = tpu.assume_multiple %add3A_278, 8192 : i32
    %dma_start3A_280 = arith.constant 0 : i32
    %dma_start3A_281 = tpu.memref_slice %arg7[%dma_start3A_280] : memref<16384xf32, #tpu.memory_space<vmem>> -> memref<8192xf32, #tpu.memory_space<vmem>>
    %dma_start3A_282 = tpu.memref_slice %arg4[%multiple_of3A_279] : memref<8388608xf32, #tpu.memory_space<hbm>> -> memref<8192xf32, #tpu.memory_space<hbm>>
    %dma_start3A_283 = tpu.memref_slice %arg4[%multiple_of3A_279] : memref<8388608xf32, #tpu.memory_space<hbm>> -> memref<8192xf32, #tpu.memory_space<hbm>>
    %dma_start3A_284 = arith.constant 0 : i32
    %dma_start3A_285 = tpu.memref_slice %arg7[%dma_start3A_284] : memref<16384xf32, #tpu.memory_space<vmem>> -> memref<8192xf32, #tpu.memory_space<vmem>>
    tpu.enqueue_dma source(%dma_start3A_285 : memref<8192xf32, #tpu.memory_space<vmem>>) target(%dma_start3A_283 : memref<8192xf32, #tpu.memory_space<hbm>>) target_semaphore(%arg8 : memref<!tpu.dma_semaphore, #tpu.memory_space<semaphore_mem>>)
    %scan3A_286 = arith.constant 0 : i32
    %scan3A_287 = arith.constant 16 : i32
    %scan3A_288 = arith.constant 16 : i32
    %scan3A_289 = arith.addi %scan3A_287, %scan3A_288 : i32
    %scan3A_290 = arith.constant 1 : i32
    scf.for %scan3A_691 = %scan3A_287 to %scan3A_289 step %scan3A_290  : i32 {
      %jit3A_692 = arith.constant 8 : i32
      %div3A_693 = arith.divsi %scan3A_691, %jit3A_692 : i32
      %sign3A_694 = arith.constant 0 : i32
      %sign3A_695 = arith.cmpi sgt, %scan3A_691, %sign3A_694 : i32
      %sign3A_696 = arith.extui %sign3A_695 : i1 to i32
      %sign3A_697 = arith.constant 0 : i32
      %sign3A_698 = arith.cmpi slt, %scan3A_691, %sign3A_697 : i32
      %sign3A_699 = arith.extui %sign3A_698 : i1 to i32
      %sign3A_700 = arith.subi %sign3A_696, %sign3A_699 : i32
      %sign3A_701 = arith.constant 0 : i32
      %sign3A_702 = arith.cmpi sgt, %jit3A_692, %sign3A_701 : i32
      %sign3A_703 = arith.extui %sign3A_702 : i1 to i32
      %sign3A_704 = arith.constant 0 : i32
      %sign3A_705 = arith.cmpi slt, %jit3A_692, %sign3A_704 : i32
      %sign3A_706 = arith.extui %sign3A_705 : i1 to i32
      %sign3A_707 = arith.subi %sign3A_703, %sign3A_706 : i32
      %ne3A_708 = arith.cmpi ne, %sign3A_700, %sign3A_707 : i32
      %rem3A_709 = arith.remsi %scan3A_691, %jit3A_692 : i32
      %ne3A_710 = arith.constant 0 : i32
      %ne3A_711 = arith.cmpi ne, %rem3A_709, %ne3A_710 : i32
      %and3A_712 = arith.andi %ne3A_708, %ne3A_711 : i1
      %sub3A_713 = arith.constant 1 : i32
      %sub3A_714 = arith.subi %div3A_693, %sub3A_713 : i32
      %select_n3A_715 = arith.select %and3A_712, %sub3A_714, %div3A_693 : i32
      %mul3A_716 = arith.constant 8 : i32
      %mul3A_717 = arith.muli %select_n3A_715, %mul3A_716 : i32
      %sub3A_718 = arith.subi %scan3A_691, %mul3A_717 : i32
      %mul3A_719 = arith.constant 2 : i32
      %mul3A_720 = arith.muli %select_n3A_715, %mul3A_719 : i32
      %mul3A_721 = arith.constant 8 : i32
      %mul3A_722 = arith.muli %mul3A_720, %mul3A_721 : i32
      %mul3A_723 = arith.constant 128 : i32
      %mul3A_724 = arith.muli %mul3A_722, %mul3A_723 : i32
      %mul3A_725 = arith.constant 128 : i32
      %mul3A_726 = arith.muli %sub3A_718, %mul3A_725 : i32
      %add3A_727 = arith.addi %mul3A_724, %mul3A_726 : i32
      %multiple_of3A_728 = tpu.assume_multiple %add3A_727, 128 : i32
      %mul3A_729 = arith.constant 4 : i32
      %mul3A_730 = arith.muli %select_n3A_715, %mul3A_729 : i32
      %mul3A_731 = arith.constant 8 : i32
      %mul3A_732 = arith.muli %mul3A_730, %mul3A_731 : i32
      %mul3A_733 = arith.constant 128 : i32
      %mul3A_734 = arith.muli %mul3A_732, %mul3A_733 : i32
      %mul3A_735 = arith.constant 128 : i32
      %mul3A_736 = arith.muli %sub3A_718, %mul3A_735 : i32
      %add3A_737 = arith.addi %mul3A_734, %mul3A_736 : i32
      %multiple_of3A_738 = tpu.assume_multiple %add3A_737, 128 : i32
      %add3A_739 = arith.constant 0 : i32
      %add3A_740 = arith.addi %multiple_of3A_738, %add3A_739 : i32
      %add3A_741 = arith.constant 0 : i32
      %add3A_742 = arith.addi %multiple_of3A_728, %add3A_741 : i32
      %add3A_743 = arith.constant 0 : i32
      %add3A_744 = arith.addi %add3A_742, %add3A_743 : i32
      %get3A_745 = arith.index_cast %add3A_744 : i32 to index
      %get3A_746 = tpu.vector_load %arg5[%get3A_745] {strides = array<i32>} : memref<8192xf32, #tpu.memory_space<vmem>>, vector<16xf32>,
      %add3A_747 = arith.constant 0 : i32
      %add3A_748 = arith.addi %add3A_740, %add3A_747 : i32
      %swap3A = arith.index_cast %add3A_748 : i32 to index
      %swap3A_749 = tpu.vector_load %arg7[%swap3A] {strides = array<i32>} : memref<16384xf32, #tpu.memory_space<vmem>>, vector<16xf32>,
      tpu.vector_store %arg7[%swap3A], %get3A_746 {strides = array<i32>} : memref<16384xf32, #tpu.memory_space<vmem>>, vector<16xf32>,
      %add3A_750 = arith.constant 16 : i32
      %add3A_751 = arith.addi %add3A_742, %add3A_750 : i32
      %get3A_752 = arith.index_cast %add3A_751 : i32 to index
      %get3A_753 = tpu.vector_load %arg5[%get3A_752] {strides = array<i32>} : memref<8192xf32, #tpu.memory_space<vmem>>, vector<16xf32>,
      %add3A_754 = arith.constant 16 : i32
      %add3A_755 = arith.addi %add3A_740, %add3A_754 : i32
      %swap3A_756 = arith.index_cast %add3A_755 : i32 to index
      %swap3A_757 = tpu.vector_load %arg7[%swap3A_756] {strides = array<i32>} : memref<16384xf32, #tpu.memory_space<vmem>>, vector<16xf32>,
      tpu.vector_store %arg7[%swap3A_756], %get3A_753 {strides = array<i32>} : memref<16384xf32, #tpu.memory_space<vmem>>, vector<16xf32>,
      %add3A_758 = arith.constant 32 : i32
      %add3A_759 = arith.addi %add3A_742, %add3A_758 : i32
      %get3A_760 = arith.index_cast %add3A_759 : i32 to index
      %get3A_761 = tpu.vector_load %arg5[%get3A_760] {strides = array<i32>} : memref<8192xf32, #tpu.memory_space<vmem>>, vector<16xf32>,
      %add3A_762 = arith.constant 32 : i32
      %add3A_763 = arith.addi %add3A_740, %add3A_762 : i32
      %swap3A_764 = arith.index_cast %add3A_763 : i32 to index
      %swap3A_765 = tpu.vector_load %arg7[%swap3A_764] {strides = array<i32>} : memref<16384xf32, #tpu.memory_space<vmem>>, vector<16xf32>,
      tpu.vector_store %arg7[%swap3A_764], %get3A_761 {strides = array<i32>} : memref<16384xf32, #tpu.memory_space<vmem>>, vector<16xf32>,
      %add3A_766 = arith.constant 48 : i32
      %add3A_767 = arith.addi %add3A_742, %add3A_766 : i32
      %get3A_768 = arith.index_cast %add3A_767 : i32 to index
      %get3A_769 = tpu.vector_load %arg5[%get3A_768] {strides = array<i32>} : memref<8192xf32, #tpu.memory_space<vmem>>, vector<16xf32>,
      %add3A_770 = arith.constant 48 : i32
      %add3A_771 = arith.addi %add3A_740, %add3A_770 : i32
      %swap3A_772 = arith.index_cast %add3A_771 : i32 to index
      %swap3A_773 = tpu.vector_load %arg7[%swap3A_772] {strides = array<i32>} : memref<16384xf32, #tpu.memory_space<vmem>>, vector<16xf32>,
      tpu.vector_store %arg7[%swap3A_772], %get3A_769 {strides = array<i32>} : memref<16384xf32, #tpu.memory_space<vmem>>, vector<16xf32>,
      %add3A_774 = arith.constant 64 : i32
      %add3A_775 = arith.addi %add3A_742, %add3A_774 : i32
      %get3A_776 = arith.index_cast %add3A_775 : i32 to index
      %get3A_777 = tpu.vector_load %arg5[%get3A_776] {strides = array<i32>} : memref<8192xf32, #tpu.memory_space<vmem>>, vector<16xf32>,
      %add3A_778 = arith.constant 64 : i32
      %add3A_779 = arith.addi %add3A_740, %add3A_778 : i32
      %swap3A_780 = arith.index_cast %add3A_779 : i32 to index
      %swap3A_781 = tpu.vector_load %arg7[%swap3A_780] {strides = array<i32>} : memref<16384xf32, #tpu.memory_space<vmem>>, vector<16xf32>,
      tpu.vector_store %arg7[%swap3A_780], %get3A_777 {strides = array<i32>} : memref<16384xf32, #tpu.memory_space<vmem>>, vector<16xf32>,
      %add3A_782 = arith.constant 80 : i32
      %add3A_783 = arith.addi %add3A_742, %add3A_782 : i32
      %get3A_784 = arith.index_cast %add3A_783 : i32 to index
      %get3A_785 = tpu.vector_load %arg5[%get3A_784] {strides = array<i32>} : memref<8192xf32, #tpu.memory_space<vmem>>, vector<16xf32>,
      %add3A_786 = arith.constant 80 : i32
      %add3A_787 = arith.addi %add3A_740, %add3A_786 : i32
      %swap3A_788 = arith.index_cast %add3A_787 : i32 to index
      %swap3A_789 = tpu.vector_load %arg7[%swap3A_788] {strides = array<i32>} : memref<16384xf32, #tpu.memory_space<vmem>>, vector<16xf32>,
      tpu.vector_store %arg7[%swap3A_788], %get3A_785 {strides = array<i32>} : memref<16384xf32, #tpu.memory_space<vmem>>, vector<16xf32>,
      %add3A_790 = arith.constant 96 : i32
      %add3A_791 = arith.addi %add3A_742, %add3A_790 : i32
      %get3A_792 = arith.index_cast %add3A_791 : i32 to index
      %get3A_793 = tpu.vector_load %arg5[%get3A_792] {strides = array<i32>} : memref<8192xf32, #tpu.memory_space<vmem>>, vector<16xf32>,
      %add3A_794 = arith.constant 96 : i32
      %add3A_795 = arith.addi %add3A_740, %add3A_794 : i32
      %swap3A_796 = arith.index_cast %add3A_795 : i32 to index
      %swap3A_797 = tpu.vector_load %arg7[%swap3A_796] {strides = array<i32>} : memref<16384xf32, #tpu.memory_space<vmem>>, vector<16xf32>,
      tpu.vector_store %arg7[%swap3A_796], %get3A_793 {strides = array<i32>} : memref<16384xf32, #tpu.memory_space<vmem>>, vector<16xf32>,
      %add3A_798 = arith.constant 112 : i32
      %add3A_799 = arith.addi %add3A_742, %add3A_798 : i32
      %get3A_800 = arith.index_cast %add3A_799 : i32 to index
      %get3A_801 = tpu.vector_load %arg5[%get3A_800] {strides = array<i32>} : memref<8192xf32, #tpu.memory_space<vmem>>, vector<16xf32>,
      %add3A_802 = arith.constant 112 : i32
      %add3A_803 = arith.addi %add3A_740, %add3A_802 : i32
      %swap3A_804 = arith.index_cast %add3A_803 : i32 to index
      %swap3A_805 = tpu.vector_load %arg7[%swap3A_804] {strides = array<i32>} : memref<16384xf32, #tpu.memory_space<vmem>>, vector<16xf32>,
      tpu.vector_store %arg7[%swap3A_804], %get3A_801 {strides = array<i32>} : memref<16384xf32, #tpu.memory_space<vmem>>, vector<16xf32>,
      %add3A_806 = arith.constant 1024 : i32
      %add3A_807 = arith.addi %multiple_of3A_738, %add3A_806 : i32
      %add3A_808 = arith.constant 1024 : i32
      %add3A_809 = arith.addi %multiple_of3A_728, %add3A_808 : i32
      %add3A_810 = arith.constant 0 : i32
      %add3A_811 = arith.addi %add3A_809, %add3A_810 : i32
      %get3A_812 = arith.index_cast %add3A_811 : i32 to index
      %get3A_813 = tpu.vector_load %arg5[%get3A_812] {strides = array<i32>} : memref<8192xf32, #tpu.memory_space<vmem>>, vector<16xf32>,
      %add3A_814 = arith.constant 0 : i32
      %add3A_815 = arith.addi %add3A_807, %add3A_814 : i32
      %swap3A_816 = arith.index_cast %add3A_815 : i32 to index
      %swap3A_817 = tpu.vector_load %arg7[%swap3A_816] {strides = array<i32>} : memref<16384xf32, #tpu.memory_space<vmem>>, vector<16xf32>,
      tpu.vector_store %arg7[%swap3A_816], %get3A_813 {strides = array<i32>} : memref<16384xf32, #tpu.memory_space<vmem>>, vector<16xf32>,
      %add3A_818 = arith.constant 16 : i32
      %add3A_819 = arith.addi %add3A_809, %add3A_818 : i32
      %get3A_820 = arith.index_cast %add3A_819 : i32 to index
      %get3A_821 = tpu.vector_load %arg5[%get3A_820] {strides = array<i32>} : memref<8192xf32, #tpu.memory_space<vmem>>, vector<16xf32>,
      %add3A_822 = arith.constant 16 : i32
      %add3A_823 = arith.addi %add3A_807, %add3A_822 : i32
      %swap3A_824 = arith.index_cast %add3A_823 : i32 to index
      %swap3A_825 = tpu.vector_load %arg7[%swap3A_824] {strides = array<i32>} : memref<16384xf32, #tpu.memory_space<vmem>>, vector<16xf32>,
      tpu.vector_store %arg7[%swap3A_824], %get3A_821 {strides = array<i32>} : memref<16384xf32, #tpu.memory_space<vmem>>, vector<16xf32>,
      %add3A_826 = arith.constant 32 : i32
      %add3A_827 = arith.addi %add3A_809, %add3A_826 : i32
      %get3A_828 = arith.index_cast %add3A_827 : i32 to index
      %get3A_829 = tpu.vector_load %arg5[%get3A_828] {strides = array<i32>} : memref<8192xf32, #tpu.memory_space<vmem>>, vector<16xf32>,
      %add3A_830 = arith.constant 32 : i32
      %add3A_831 = arith.addi %add3A_807, %add3A_830 : i32
      %swap3A_832 = arith.index_cast %add3A_831 : i32 to index
      %swap3A_833 = tpu.vector_load %arg7[%swap3A_832] {strides = array<i32>} : memref<16384xf32, #tpu.memory_space<vmem>>, vector<16xf32>,
      tpu.vector_store %arg7[%swap3A_832], %get3A_829 {strides = array<i32>} : memref<16384xf32, #tpu.memory_space<vmem>>, vector<16xf32>,
      %add3A_834 = arith.constant 48 : i32
      %add3A_835 = arith.addi %add3A_809, %add3A_834 : i32
      %get3A_836 = arith.index_cast %add3A_835 : i32 to index
      %get3A_837 = tpu.vector_load %arg5[%get3A_836] {strides = array<i32>} : memref<8192xf32, #tpu.memory_space<vmem>>, vector<16xf32>,
      %add3A_838 = arith.constant 48 : i32
      %add3A_839 = arith.addi %add3A_807, %add3A_838 : i32
      %swap3A_840 = arith.index_cast %add3A_839 : i32 to index
      %swap3A_841 = tpu.vector_load %arg7[%swap3A_840] {strides = array<i32>} : memref<16384xf32, #tpu.memory_space<vmem>>, vector<16xf32>,
      tpu.vector_store %arg7[%swap3A_840], %get3A_837 {strides = array<i32>} : memref<16384xf32, #tpu.memory_space<vmem>>, vector<16xf32>,
      %add3A_842 = arith.constant 64 : i32
      %add3A_843 = arith.addi %add3A_809, %add3A_842 : i32
      %get3A_844 = arith.index_cast %add3A_843 : i32 to index
      %get3A_845 = tpu.vector_load %arg5[%get3A_844] {strides = array<i32>} : memref<8192xf32, #tpu.memory_space<vmem>>, vector<16xf32>,
      %add3A_846 = arith.constant 64 : i32
      %add3A_847 = arith.addi %add3A_807, %add3A_846 : i32
      %swap3A_848 = arith.index_cast %add3A_847 : i32 to index
      %swap3A_849 = tpu.vector_load %arg7[%swap3A_848] {strides = array<i32>} : memref<16384xf32, #tpu.memory_space<vmem>>, vector<16xf32>,
      tpu.vector_store %arg7[%swap3A_848], %get3A_845 {strides = array<i32>} : memref<16384xf32, #tpu.memory_space<vmem>>, vector<16xf32>,
      %add3A_850 = arith.constant 80 : i32
      %add3A_851 = arith.addi %add3A_809, %add3A_850 : i32
      %get3A_852 = arith.index_cast %add3A_851 : i32 to index
      %get3A_853 = tpu.vector_load %arg5[%get3A_852] {strides = array<i32>} : memref<8192xf32, #tpu.memory_space<vmem>>, vector<16xf32>,
      %add3A_854 = arith.constant 80 : i32
      %add3A_855 = arith.addi %add3A_807, %add3A_854 : i32
      %swap3A_856 = arith.index_cast %add3A_855 : i32 to index
      %swap3A_857 = tpu.vector_load %arg7[%swap3A_856] {strides = array<i32>} : memref<16384xf32, #tpu.memory_space<vmem>>, vector<16xf32>,
      tpu.vector_store %arg7[%swap3A_856], %get3A_853 {strides = array<i32>} : memref<16384xf32, #tpu.memory_space<vmem>>, vector<16xf32>,
      %add3A_858 = arith.constant 96 : i32
      %add3A_859 = arith.addi %add3A_809, %add3A_858 : i32
      %get3A_860 = arith.index_cast %add3A_859 : i32 to index
      %get3A_861 = tpu.vector_load %arg5[%get3A_860] {strides = array<i32>} : memref<8192xf32, #tpu.memory_space<vmem>>, vector<16xf32>,
      %add3A_862 = arith.constant 96 : i32
      %add3A_863 = arith.addi %add3A_807, %add3A_862 : i32
      %swap3A_864 = arith.index_cast %add3A_863 : i32 to index
      %swap3A_865 = tpu.vector_load %arg7[%swap3A_864] {strides = array<i32>} : memref<16384xf32, #tpu.memory_space<vmem>>, vector<16xf32>,
      tpu.vector_store %arg7[%swap3A_864], %get3A_861 {strides = array<i32>} : memref<16384xf32, #tpu.memory_space<vmem>>, vector<16xf32>,
      %add3A_866 = arith.constant 112 : i32
      %add3A_867 = arith.addi %add3A_809, %add3A_866 : i32
      %get3A_868 = arith.index_cast %add3A_867 : i32 to index
      %get3A_869 = tpu.vector_load %arg5[%get3A_868] {strides = array<i32>} : memref<8192xf32, #tpu.memory_space<vmem>>, vector<16xf32>,
      %add3A_870 = arith.constant 112 : i32
      %add3A_871 = arith.addi %add3A_807, %add3A_870 : i32
      %swap3A_872 = arith.index_cast %add3A_871 : i32 to index
      %swap3A_873 = tpu.vector_load %arg7[%swap3A_872] {strides = array<i32>} : memref<16384xf32, #tpu.memory_space<vmem>>, vector<16xf32>,
      tpu.vector_store %arg7[%swap3A_872], %get3A_869 {strides = array<i32>} : memref<16384xf32, #tpu.memory_space<vmem>>, vector<16xf32>,
      %add3A_874 = arith.constant 2048 : i32
      %add3A_875 = arith.addi %multiple_of3A_738, %add3A_874 : i32
      %add3A_876 = arith.constant 0 : i32
      %add3A_877 = arith.addi %add3A_875, %add3A_876 : i32
      %swap3A_878 = arith.index_cast %add3A_877 : i32 to index
      %swap3A_879 = tpu.vector_load %arg7[%swap3A_878] {strides = array<i32>} : memref<16384xf32, #tpu.memory_space<vmem>>, vector<16xf32>,
      tpu.vector_store %arg7[%swap3A_878], %get3A_43 {strides = array<i32>} : memref<16384xf32, #tpu.memory_space<vmem>>, vector<16xf32>,
      %add3A_880 = arith.constant 16 : i32
      %add3A_881 = arith.addi %add3A_875, %add3A_880 : i32
      %swap3A_882 = arith.index_cast %add3A_881 : i32 to index
      %swap3A_883 = tpu.vector_load %arg7[%swap3A_882] {strides = array<i32>} : memref<16384xf32, #tpu.memory_space<vmem>>, vector<16xf32>,
      tpu.vector_store %arg7[%swap3A_882], %get3A_45 {strides = array<i32>} : memref<16384xf32, #tpu.memory_space<vmem>>, vector<16xf32>,
      %add3A_884 = arith.constant 32 : i32
      %add3A_885 = arith.addi %add3A_875, %add3A_884 : i32
      %swap3A_886 = arith.index_cast %add3A_885 : i32 to index
      %swap3A_887 = tpu.vector_load %arg7[%swap3A_886] {strides = array<i32>} : memref<16384xf32, #tpu.memory_space<vmem>>, vector<16xf32>,
      tpu.vector_store %arg7[%swap3A_886], %get3A_47 {strides = array<i32>} : memref<16384xf32, #tpu.memory_space<vmem>>, vector<16xf32>,
      %add3A_888 = arith.constant 48 : i32
      %add3A_889 = arith.addi %add3A_875, %add3A_888 : i32
      %swap3A_890 = arith.index_cast %add3A_889 : i32 to index
      %swap3A_891 = tpu.vector_load %arg7[%swap3A_890] {strides = array<i32>} : memref<16384xf32, #tpu.memory_space<vmem>>, vector<16xf32>,
      tpu.vector_store %arg7[%swap3A_890], %get3A_49 {strides = array<i32>} : memref<16384xf32, #tpu.memory_space<vmem>>, vector<16xf32>,
      %add3A_892 = arith.constant 64 : i32
      %add3A_893 = arith.addi %add3A_875, %add3A_892 : i32
      %swap3A_894 = arith.index_cast %add3A_893 : i32 to index
      %swap3A_895 = tpu.vector_load %arg7[%swap3A_894] {strides = array<i32>} : memref<16384xf32, #tpu.memory_space<vmem>>, vector<16xf32>,
      tpu.vector_store %arg7[%swap3A_894], %get3A_51 {strides = array<i32>} : memref<16384xf32, #tpu.memory_space<vmem>>, vector<16xf32>,
      %add3A_896 = arith.constant 80 : i32
      %add3A_897 = arith.addi %add3A_875, %add3A_896 : i32
      %swap3A_898 = arith.index_cast %add3A_897 : i32 to index
      %swap3A_899 = tpu.vector_load %arg7[%swap3A_898] {strides = array<i32>} : memref<16384xf32, #tpu.memory_space<vmem>>, vector<16xf32>,
      tpu.vector_store %arg7[%swap3A_898], %get3A_53 {strides = array<i32>} : memref<16384xf32, #tpu.memory_space<vmem>>, vector<16xf32>,
      %add3A_900 = arith.constant 96 : i32
      %add3A_901 = arith.addi %add3A_875, %add3A_900 : i32
      %swap3A_902 = arith.index_cast %add3A_901 : i32 to index
      %swap3A_903 = tpu.vector_load %arg7[%swap3A_902] {strides = array<i32>} : memref<16384xf32, #tpu.memory_space<vmem>>, vector<16xf32>,
      tpu.vector_store %arg7[%swap3A_902], %get3A_55 {strides = array<i32>} : memref<16384xf32, #tpu.memory_space<vmem>>, vector<16xf32>,
      %add3A_904 = arith.constant 112 : i32
      %add3A_905 = arith.addi %add3A_875, %add3A_904 : i32
      %swap3A_906 = arith.index_cast %add3A_905 : i32 to index
      %swap3A_907 = tpu.vector_load %arg7[%swap3A_906] {strides = array<i32>} : memref<16384xf32, #tpu.memory_space<vmem>>, vector<16xf32>,
      tpu.vector_store %arg7[%swap3A_906], %get3A_57 {strides = array<i32>} : memref<16384xf32, #tpu.memory_space<vmem>>, vector<16xf32>,
      %add3A_908 = arith.constant 3072 : i32
      %add3A_909 = arith.addi %multiple_of3A_738, %add3A_908 : i32
      %add3A_910 = arith.constant 0 : i32
      %add3A_911 = arith.addi %add3A_909, %add3A_910 : i32
      %swap3A_912 = arith.index_cast %add3A_911 : i32 to index
      %swap3A_913 = tpu.vector_load %arg7[%swap3A_912] {strides = array<i32>} : memref<16384xf32, #tpu.memory_space<vmem>>, vector<16xf32>,
      tpu.vector_store %arg7[%swap3A_912], %get3A_59 {strides = array<i32>} : memref<16384xf32, #tpu.memory_space<vmem>>, vector<16xf32>,
      %add3A_914 = arith.constant 16 : i32
      %add3A_915 = arith.addi %add3A_909, %add3A_914 : i32
      %swap3A_916 = arith.index_cast %add3A_915 : i32 to index
      %swap3A_917 = tpu.vector_load %arg7[%swap3A_916] {strides = array<i32>} : memref<16384xf32, #tpu.memory_space<vmem>>, vector<16xf32>,
      tpu.vector_store %arg7[%swap3A_916], %get3A_61 {strides = array<i32>} : memref<16384xf32, #tpu.memory_space<vmem>>, vector<16xf32>,
      %add3A_918 = arith.constant 32 : i32
      %add3A_919 = arith.addi %add3A_909, %add3A_918 : i32
      %swap3A_920 = arith.index_cast %add3A_919 : i32 to index
      %swap3A_921 = tpu.vector_load %arg7[%swap3A_920] {strides = array<i32>} : memref<16384xf32, #tpu.memory_space<vmem>>, vector<16xf32>,
      tpu.vector_store %arg7[%swap3A_920], %get3A_63 {strides = array<i32>} : memref<16384xf32, #tpu.memory_space<vmem>>, vector<16xf32>,
      %add3A_922 = arith.constant 48 : i32
      %add3A_923 = arith.addi %add3A_909, %add3A_922 : i32
      %swap3A_924 = arith.index_cast %add3A_923 : i32 to index
      %swap3A_925 = tpu.vector_load %arg7[%swap3A_924] {strides = array<i32>} : memref<16384xf32, #tpu.memory_space<vmem>>, vector<16xf32>,
      tpu.vector_store %arg7[%swap3A_924], %get3A_65 {strides = array<i32>} : memref<16384xf32, #tpu.memory_space<vmem>>, vector<16xf32>,
      %add3A_926 = arith.constant 64 : i32
      %add3A_927 = arith.addi %add3A_909, %add3A_926 : i32
      %swap3A_928 = arith.index_cast %add3A_927 : i32 to index
      %swap3A_929 = tpu.vector_load %arg7[%swap3A_928] {strides = array<i32>} : memref<16384xf32, #tpu.memory_space<vmem>>, vector<16xf32>,
      tpu.vector_store %arg7[%swap3A_928], %get3A_67 {strides = array<i32>} : memref<16384xf32, #tpu.memory_space<vmem>>, vector<16xf32>,
      %add3A_930 = arith.constant 80 : i32
      %add3A_931 = arith.addi %add3A_909, %add3A_930 : i32
      %swap3A_932 = arith.index_cast %add3A_931 : i32 to index
      %swap3A_933 = tpu.vector_load %arg7[%swap3A_932] {strides = array<i32>} : memref<16384xf32, #tpu.memory_space<vmem>>, vector<16xf32>,
      tpu.vector_store %arg7[%swap3A_932], %get3A_69 {strides = array<i32>} : memref<16384xf32, #tpu.memory_space<vmem>>, vector<16xf32>,
      %add3A_934 = arith.constant 96 : i32
      %add3A_935 = arith.addi %add3A_909, %add3A_934 : i32
      %swap3A_936 = arith.index_cast %add3A_935 : i32 to index
      %swap3A_937 = tpu.vector_load %arg7[%swap3A_936] {strides = array<i32>} : memref<16384xf32, #tpu.memory_space<vmem>>, vector<16xf32>,
      tpu.vector_store %arg7[%swap3A_936], %get3A_71 {strides = array<i32>} : memref<16384xf32, #tpu.memory_space<vmem>>, vector<16xf32>,
      %add3A_938 = arith.constant 112 : i32
      %add3A_939 = arith.addi %add3A_909, %add3A_938 : i32
      %swap3A_940 = arith.index_cast %add3A_939 : i32 to index
      %swap3A_941 = tpu.vector_load %arg7[%swap3A_940] {strides = array<i32>} : memref<16384xf32, #tpu.memory_space<vmem>>, vector<16xf32>,
      tpu.vector_store %arg7[%swap3A_940], %get3A_73 {strides = array<i32>} : memref<16384xf32, #tpu.memory_space<vmem>>, vector<16xf32>,
    }
    %scan3A_291 = arith.constant 16 : i32
    %add3A_292 = arith.constant 0 : i32
    %add3A_293 = arith.addi %add3A_292, %add3A : i32
    %mul3A_294 = arith.constant 16384 : i32
    %mul3A_295 = arith.muli %add3A_293, %mul3A_294 : i32
    %add3A_296 = arith.constant 8192 : i32
    %add3A_297 = arith.addi %mul3A_295, %add3A_296 : i32
    %multiple_of3A_298 = tpu.assume_multiple %add3A_297, 8192 : i32
    %dma_start3A_299 = arith.constant 8192 : i32
    %dma_start3A_300 = tpu.memref_slice %arg7[%dma_start3A_299] : memref<16384xf32, #tpu.memory_space<vmem>> -> memref<8192xf32, #tpu.memory_space<vmem>>
    %dma_start3A_301 = tpu.memref_slice %arg4[%multiple_of3A_298] : memref<8388608xf32, #tpu.memory_space<hbm>> -> memref<8192xf32, #tpu.memory_space<hbm>>
    %dma_start3A_302 = tpu.memref_slice %arg4[%multiple_of3A_298] : memref<8388608xf32, #tpu.memory_space<hbm>> -> memref<8192xf32, #tpu.memory_space<hbm>>
    %dma_start3A_303 = arith.constant 8192 : i32
    %dma_start3A_304 = tpu.memref_slice %arg7[%dma_start3A_303] : memref<16384xf32, #tpu.memory_space<vmem>> -> memref<8192xf32, #tpu.memory_space<vmem>>
    tpu.enqueue_dma source(%dma_start3A_304 : memref<8192xf32, #tpu.memory_space<vmem>>) target(%dma_start3A_302 : memref<8192xf32, #tpu.memory_space<hbm>>) target_semaphore(%arg8 : memref<!tpu.dma_semaphore, #tpu.memory_space<semaphore_mem>>)
    %add3A_305 = arith.constant 32 : i32
    %add3A_306 = arith.addi %add3A_305, %add3A : i32
    %mul3A_307 = arith.constant 16384 : i32
    %mul3A_308 = arith.muli %add3A_306, %mul3A_307 : i32
    %add3A_309 = arith.constant 8192 : i32
    %add3A_310 = arith.addi %mul3A_308, %add3A_309 : i32
    %multiple_of3A_311 = tpu.assume_multiple %add3A_310, 8192 : i32
    %dma_start3A_312 = arith.constant 8192 : i32
    %dma_start3A_313 = tpu.memref_slice %arg7[%dma_start3A_312] : memref<16384xf32, #tpu.memory_space<vmem>> -> memref<8192xf32, #tpu.memory_space<vmem>>
    %dma_start3A_314 = tpu.memref_slice %arg4[%multiple_of3A_311] : memref<8388608xf32, #tpu.memory_space<hbm>> -> memref<8192xf32, #tpu.memory_space<hbm>>
    %dma_start3A_315 = tpu.memref_slice %arg4[%multiple_of3A_311] : memref<8388608xf32, #tpu.memory_space<hbm>> -> memref<8192xf32, #tpu.memory_space<hbm>>
    %dma_start3A_316 = arith.constant 8192 : i32
    %dma_start3A_317 = tpu.memref_slice %arg7[%dma_start3A_316] : memref<16384xf32, #tpu.memory_space<vmem>> -> memref<8192xf32, #tpu.memory_space<vmem>>
    tpu.enqueue_dma source(%dma_start3A_317 : memref<8192xf32, #tpu.memory_space<vmem>>) target(%dma_start3A_315 : memref<8192xf32, #tpu.memory_space<hbm>>) target_semaphore(%arg8 : memref<!tpu.dma_semaphore, #tpu.memory_space<semaphore_mem>>)
    %add3A_318 = arith.constant 64 : i32
    %add3A_319 = arith.addi %add3A_318, %add3A : i32
    %mul3A_320 = arith.constant 16384 : i32
    %mul3A_321 = arith.muli %add3A_319, %mul3A_320 : i32
    %add3A_322 = arith.constant 8192 : i32
    %add3A_323 = arith.addi %mul3A_321, %add3A_322 : i32
    %multiple_of3A_324 = tpu.assume_multiple %add3A_323, 8192 : i32
    %dma_start3A_325 = arith.constant 8192 : i32
    %dma_start3A_326 = tpu.memref_slice %arg7[%dma_start3A_325] : memref<16384xf32, #tpu.memory_space<vmem>> -> memref<8192xf32, #tpu.memory_space<vmem>>
    %dma_start3A_327 = tpu.memref_slice %arg4[%multiple_of3A_324] : memref<8388608xf32, #tpu.memory_space<hbm>> -> memref<8192xf32, #tpu.memory_space<hbm>>
    %dma_start3A_328 = tpu.memref_slice %arg4[%multiple_of3A_324] : memref<8388608xf32, #tpu.memory_space<hbm>> -> memref<8192xf32, #tpu.memory_space<hbm>>
    %dma_start3A_329 = arith.constant 8192 : i32
    %dma_start3A_330 = tpu.memref_slice %arg7[%dma_start3A_329] : memref<16384xf32, #tpu.memory_space<vmem>> -> memref<8192xf32, #tpu.memory_space<vmem>>
    tpu.enqueue_dma source(%dma_start3A_330 : memref<8192xf32, #tpu.memory_space<vmem>>) target(%dma_start3A_328 : memref<8192xf32, #tpu.memory_space<hbm>>) target_semaphore(%arg8 : memref<!tpu.dma_semaphore, #tpu.memory_space<semaphore_mem>>)
    %add3A_331 = arith.constant 96 : i32
    %add3A_332 = arith.addi %add3A_331, %add3A : i32
    %mul3A_333 = arith.constant 16384 : i32
    %mul3A_334 = arith.muli %add3A_332, %mul3A_333 : i32
    %add3A_335 = arith.constant 8192 : i32
    %add3A_336 = arith.addi %mul3A_334, %add3A_335 : i32
    %multiple_of3A_337 = tpu.assume_multiple %add3A_336, 8192 : i32
    %dma_start3A_338 = arith.constant 8192 : i32
    %dma_start3A_339 = tpu.memref_slice %arg7[%dma_start3A_338] : memref<16384xf32, #tpu.memory_space<vmem>> -> memref<8192xf32, #tpu.memory_space<vmem>>
    %dma_start3A_340 = tpu.memref_slice %arg4[%multiple_of3A_337] : memref<8388608xf32, #tpu.memory_space<hbm>> -> memref<8192xf32, #tpu.memory_space<hbm>>
    %dma_start3A_341 = tpu.memref_slice %arg4[%multiple_of3A_337] : memref<8388608xf32, #tpu.memory_space<hbm>> -> memref<8192xf32, #tpu.memory_space<hbm>>
    %dma_start3A_342 = arith.constant 8192 : i32
    %dma_start3A_343 = tpu.memref_slice %arg7[%dma_start3A_342] : memref<16384xf32, #tpu.memory_space<vmem>> -> memref<8192xf32, #tpu.memory_space<vmem>>
    tpu.enqueue_dma source(%dma_start3A_343 : memref<8192xf32, #tpu.memory_space<vmem>>) target(%dma_start3A_341 : memref<8192xf32, #tpu.memory_space<hbm>>) target_semaphore(%arg8 : memref<!tpu.dma_semaphore, #tpu.memory_space<semaphore_mem>>)
    %add3A_344 = arith.constant 128 : i32
    %add3A_345 = arith.addi %add3A_344, %add3A : i32
    %mul3A_346 = arith.constant 16384 : i32
    %mul3A_347 = arith.muli %add3A_345, %mul3A_346 : i32
    %add3A_348 = arith.constant 8192 : i32
    %add3A_349 = arith.addi %mul3A_347, %add3A_348 : i32
    %multiple_of3A_350 = tpu.assume_multiple %add3A_349, 8192 : i32
    %dma_start3A_351 = arith.constant 8192 : i32
    %dma_start3A_352 = tpu.memref_slice %arg7[%dma_start3A_351] : memref<16384xf32, #tpu.memory_space<vmem>> -> memref<8192xf32, #tpu.memory_space<vmem>>
    %dma_start3A_353 = tpu.memref_slice %arg4[%multiple_of3A_350] : memref<8388608xf32, #tpu.memory_space<hbm>> -> memref<8192xf32, #tpu.memory_space<hbm>>
    %dma_start3A_354 = tpu.memref_slice %arg4[%multiple_of3A_350] : memref<8388608xf32, #tpu.memory_space<hbm>> -> memref<8192xf32, #tpu.memory_space<hbm>>
    %dma_start3A_355 = arith.constant 8192 : i32
    %dma_start3A_356 = tpu.memref_slice %arg7[%dma_start3A_355] : memref<16384xf32, #tpu.memory_space<vmem>> -> memref<8192xf32, #tpu.memory_space<vmem>>
    tpu.enqueue_dma source(%dma_start3A_356 : memref<8192xf32, #tpu.memory_space<vmem>>) target(%dma_start3A_354 : memref<8192xf32, #tpu.memory_space<hbm>>) target_semaphore(%arg8 : memref<!tpu.dma_semaphore, #tpu.memory_space<semaphore_mem>>)
    %add3A_357 = arith.constant 160 : i32
    %add3A_358 = arith.addi %add3A_357, %add3A : i32
    %mul3A_359 = arith.constant 16384 : i32
    %mul3A_360 = arith.muli %add3A_358, %mul3A_359 : i32
    %add3A_361 = arith.constant 8192 : i32
    %add3A_362 = arith.addi %mul3A_360, %add3A_361 : i32
    %multiple_of3A_363 = tpu.assume_multiple %add3A_362, 8192 : i32
    %dma_start3A_364 = arith.constant 8192 : i32
    %dma_start3A_365 = tpu.memref_slice %arg7[%dma_start3A_364] : memref<16384xf32, #tpu.memory_space<vmem>> -> memref<8192xf32, #tpu.memory_space<vmem>>
    %dma_start3A_366 = tpu.memref_slice %arg4[%multiple_of3A_363] : memref<8388608xf32, #tpu.memory_space<hbm>> -> memref<8192xf32, #tpu.memory_space<hbm>>
    %dma_start3A_367 = tpu.memref_slice %arg4[%multiple_of3A_363] : memref<8388608xf32, #tpu.memory_space<hbm>> -> memref<8192xf32, #tpu.memory_space<hbm>>
    %dma_start3A_368 = arith.constant 8192 : i32
    %dma_start3A_369 = tpu.memref_slice %arg7[%dma_start3A_368] : memref<16384xf32, #tpu.memory_space<vmem>> -> memref<8192xf32, #tpu.memory_space<vmem>>
    tpu.enqueue_dma source(%dma_start3A_369 : memref<8192xf32, #tpu.memory_space<vmem>>) target(%dma_start3A_367 : memref<8192xf32, #tpu.memory_space<hbm>>) target_semaphore(%arg8 : memref<!tpu.dma_semaphore, #tpu.memory_space<semaphore_mem>>)
    %add3A_370 = arith.constant 192 : i32
    %add3A_371 = arith.addi %add3A_370, %add3A : i32
    %mul3A_372 = arith.constant 16384 : i32
    %mul3A_373 = arith.muli %add3A_371, %mul3A_372 : i32
    %add3A_374 = arith.constant 8192 : i32
    %add3A_375 = arith.addi %mul3A_373, %add3A_374 : i32
    %multiple_of3A_376 = tpu.assume_multiple %add3A_375, 8192 : i32
    %dma_start3A_377 = arith.constant 8192 : i32
    %dma_start3A_378 = tpu.memref_slice %arg7[%dma_start3A_377] : memref<16384xf32, #tpu.memory_space<vmem>> -> memref<8192xf32, #tpu.memory_space<vmem>>
    %dma_start3A_379 = tpu.memref_slice %arg4[%multiple_of3A_376] : memref<8388608xf32, #tpu.memory_space<hbm>> -> memref<8192xf32, #tpu.memory_space<hbm>>
    %dma_start3A_380 = tpu.memref_slice %arg4[%multiple_of3A_376] : memref<8388608xf32, #tpu.memory_space<hbm>> -> memref<8192xf32, #tpu.memory_space<hbm>>
    %dma_start3A_381 = arith.constant 8192 : i32
    %dma_start3A_382 = tpu.memref_slice %arg7[%dma_start3A_381] : memref<16384xf32, #tpu.memory_space<vmem>> -> memref<8192xf32, #tpu.memory_space<vmem>>
    tpu.enqueue_dma source(%dma_start3A_382 : memref<8192xf32, #tpu.memory_space<vmem>>) target(%dma_start3A_380 : memref<8192xf32, #tpu.memory_space<hbm>>) target_semaphore(%arg8 : memref<!tpu.dma_semaphore, #tpu.memory_space<semaphore_mem>>)
    %add3A_383 = arith.constant 224 : i32
    %add3A_384 = arith.addi %add3A_383, %add3A : i32
    %mul3A_385 = arith.constant 16384 : i32
    %mul3A_386 = arith.muli %add3A_384, %mul3A_385 : i32
    %add3A_387 = arith.constant 8192 : i32
    %add3A_388 = arith.addi %mul3A_386, %add3A_387 : i32
    %multiple_of3A_389 = tpu.assume_multiple %add3A_388, 8192 : i32
    %dma_start3A_390 = arith.constant 8192 : i32
    %dma_start3A_391 = tpu.memref_slice %arg7[%dma_start3A_390] : memref<16384xf32, #tpu.memory_space<vmem>> -> memref<8192xf32, #tpu.memory_space<vmem>>
    %dma_start3A_392 = tpu.memref_slice %arg4[%multiple_of3A_389] : memref<8388608xf32, #tpu.memory_space<hbm>> -> memref<8192xf32, #tpu.memory_space<hbm>>
    %dma_start3A_393 = tpu.memref_slice %arg4[%multiple_of3A_389] : memref<8388608xf32, #tpu.memory_space<hbm>> -> memref<8192xf32, #tpu.memory_space<hbm>>
    %dma_start3A_394 = arith.constant 8192 : i32
    %dma_start3A_395 = tpu.memref_slice %arg7[%dma_start3A_394] : memref<16384xf32, #tpu.memory_space<vmem>> -> memref<8192xf32, #tpu.memory_space<vmem>>
    tpu.enqueue_dma source(%dma_start3A_395 : memref<8192xf32, #tpu.memory_space<vmem>>) target(%dma_start3A_393 : memref<8192xf32, #tpu.memory_space<hbm>>) target_semaphore(%arg8 : memref<!tpu.dma_semaphore, #tpu.memory_space<semaphore_mem>>)
    %add3A_396 = arith.constant 256 : i32
    %add3A_397 = arith.addi %add3A_396, %add3A : i32
    %mul3A_398 = arith.constant 16384 : i32
    %mul3A_399 = arith.muli %add3A_397, %mul3A_398 : i32
    %add3A_400 = arith.constant 8192 : i32
    %add3A_401 = arith.addi %mul3A_399, %add3A_400 : i32
    %multiple_of3A_402 = tpu.assume_multiple %add3A_401, 8192 : i32
    %dma_start3A_403 = arith.constant 8192 : i32
    %dma_start3A_404 = tpu.memref_slice %arg7[%dma_start3A_403] : memref<16384xf32, #tpu.memory_space<vmem>> -> memref<8192xf32, #tpu.memory_space<vmem>>
    %dma_start3A_405 = tpu.memref_slice %arg4[%multiple_of3A_402] : memref<8388608xf32, #tpu.memory_space<hbm>> -> memref<8192xf32, #tpu.memory_space<hbm>>
    %dma_start3A_406 = tpu.memref_slice %arg4[%multiple_of3A_402] : memref<8388608xf32, #tpu.memory_space<hbm>> -> memref<8192xf32, #tpu.memory_space<hbm>>
    %dma_start3A_407 = arith.constant 8192 : i32
    %dma_start3A_408 = tpu.memref_slice %arg7[%dma_start3A_407] : memref<16384xf32, #tpu.memory_space<vmem>> -> memref<8192xf32, #tpu.memory_space<vmem>>
    tpu.enqueue_dma source(%dma_start3A_408 : memref<8192xf32, #tpu.memory_space<vmem>>) target(%dma_start3A_406 : memref<8192xf32, #tpu.memory_space<hbm>>) target_semaphore(%arg8 : memref<!tpu.dma_semaphore, #tpu.memory_space<semaphore_mem>>)
    %add3A_409 = arith.constant 288 : i32
    %add3A_410 = arith.addi %add3A_409, %add3A : i32
    %mul3A_411 = arith.constant 16384 : i32
    %mul3A_412 = arith.muli %add3A_410, %mul3A_411 : i32
    %add3A_413 = arith.constant 8192 : i32
    %add3A_414 = arith.addi %mul3A_412, %add3A_413 : i32
    %multiple_of3A_415 = tpu.assume_multiple %add3A_414, 8192 : i32
    %dma_start3A_416 = arith.constant 8192 : i32
    %dma_start3A_417 = tpu.memref_slice %arg7[%dma_start3A_416] : memref<16384xf32, #tpu.memory_space<vmem>> -> memref<8192xf32, #tpu.memory_space<vmem>>
    %dma_start3A_418 = tpu.memref_slice %arg4[%multiple_of3A_415] : memref<8388608xf32, #tpu.memory_space<hbm>> -> memref<8192xf32, #tpu.memory_space<hbm>>
    %dma_start3A_419 = tpu.memref_slice %arg4[%multiple_of3A_415] : memref<8388608xf32, #tpu.memory_space<hbm>> -> memref<8192xf32, #tpu.memory_space<hbm>>
    %dma_start3A_420 = arith.constant 8192 : i32
    %dma_start3A_421 = tpu.memref_slice %arg7[%dma_start3A_420] : memref<16384xf32, #tpu.memory_space<vmem>> -> memref<8192xf32, #tpu.memory_space<vmem>>
    tpu.enqueue_dma source(%dma_start3A_421 : memref<8192xf32, #tpu.memory_space<vmem>>) target(%dma_start3A_419 : memref<8192xf32, #tpu.memory_space<hbm>>) target_semaphore(%arg8 : memref<!tpu.dma_semaphore, #tpu.memory_space<semaphore_mem>>)
    %add3A_422 = arith.constant 320 : i32
    %add3A_423 = arith.addi %add3A_422, %add3A : i32
    %mul3A_424 = arith.constant 16384 : i32
    %mul3A_425 = arith.muli %add3A_423, %mul3A_424 : i32
    %add3A_426 = arith.constant 8192 : i32
    %add3A_427 = arith.addi %mul3A_425, %add3A_426 : i32
    %multiple_of3A_428 = tpu.assume_multiple %add3A_427, 8192 : i32
    %dma_start3A_429 = arith.constant 8192 : i32
    %dma_start3A_430 = tpu.memref_slice %arg7[%dma_start3A_429] : memref<16384xf32, #tpu.memory_space<vmem>> -> memref<8192xf32, #tpu.memory_space<vmem>>
    %dma_start3A_431 = tpu.memref_slice %arg4[%multiple_of3A_428] : memref<8388608xf32, #tpu.memory_space<hbm>> -> memref<8192xf32, #tpu.memory_space<hbm>>
    %dma_start3A_432 = tpu.memref_slice %arg4[%multiple_of3A_428] : memref<8388608xf32, #tpu.memory_space<hbm>> -> memref<8192xf32, #tpu.memory_space<hbm>>
    %dma_start3A_433 = arith.constant 8192 : i32
    %dma_start3A_434 = tpu.memref_slice %arg7[%dma_start3A_433] : memref<16384xf32, #tpu.memory_space<vmem>> -> memref<8192xf32, #tpu.memory_space<vmem>>
    tpu.enqueue_dma source(%dma_start3A_434 : memref<8192xf32, #tpu.memory_space<vmem>>) target(%dma_start3A_432 : memref<8192xf32, #tpu.memory_space<hbm>>) target_semaphore(%arg8 : memref<!tpu.dma_semaphore, #tpu.memory_space<semaphore_mem>>)
    %add3A_435 = arith.constant 352 : i32
    %add3A_436 = arith.addi %add3A_435, %add3A : i32
    %mul3A_437 = arith.constant 16384 : i32
    %mul3A_438 = arith.muli %add3A_436, %mul3A_437 : i32
    %add3A_439 = arith.constant 8192 : i32
    %add3A_440 = arith.addi %mul3A_438, %add3A_439 : i32
    %multiple_of3A_441 = tpu.assume_multiple %add3A_440, 8192 : i32
    %dma_start3A_442 = arith.constant 8192 : i32
    %dma_start3A_443 = tpu.memref_slice %arg7[%dma_start3A_442] : memref<16384xf32, #tpu.memory_space<vmem>> -> memref<8192xf32, #tpu.memory_space<vmem>>
    %dma_start3A_444 = tpu.memref_slice %arg4[%multiple_of3A_441] : memref<8388608xf32, #tpu.memory_space<hbm>> -> memref<8192xf32, #tpu.memory_space<hbm>>
    %dma_start3A_445 = tpu.memref_slice %arg4[%multiple_of3A_441] : memref<8388608xf32, #tpu.memory_space<hbm>> -> memref<8192xf32, #tpu.memory_space<hbm>>
    %dma_start3A_446 = arith.constant 8192 : i32
    %dma_start3A_447 = tpu.memref_slice %arg7[%dma_start3A_446] : memref<16384xf32, #tpu.memory_space<vmem>> -> memref<8192xf32, #tpu.memory_space<vmem>>
    tpu.enqueue_dma source(%dma_start3A_447 : memref<8192xf32, #tpu.memory_space<vmem>>) target(%dma_start3A_445 : memref<8192xf32, #tpu.memory_space<hbm>>) target_semaphore(%arg8 : memref<!tpu.dma_semaphore, #tpu.memory_space<semaphore_mem>>)
    %add3A_448 = arith.constant 384 : i32
    %add3A_449 = arith.addi %add3A_448, %add3A : i32
    %mul3A_450 = arith.constant 16384 : i32
    %mul3A_451 = arith.muli %add3A_449, %mul3A_450 : i32
    %add3A_452 = arith.constant 8192 : i32
    %add3A_453 = arith.addi %mul3A_451, %add3A_452 : i32
    %multiple_of3A_454 = tpu.assume_multiple %add3A_453, 8192 : i32
    %dma_start3A_455 = arith.constant 8192 : i32
    %dma_start3A_456 = tpu.memref_slice %arg7[%dma_start3A_455] : memref<16384xf32, #tpu.memory_space<vmem>> -> memref<8192xf32, #tpu.memory_space<vmem>>
    %dma_start3A_457 = tpu.memref_slice %arg4[%multiple_of3A_454] : memref<8388608xf32, #tpu.memory_space<hbm>> -> memref<8192xf32, #tpu.memory_space<hbm>>
    %dma_start3A_458 = tpu.memref_slice %arg4[%multiple_of3A_454] : memref<8388608xf32, #tpu.memory_space<hbm>> -> memref<8192xf32, #tpu.memory_space<hbm>>
    %dma_start3A_459 = arith.constant 8192 : i32
    %dma_start3A_460 = tpu.memref_slice %arg7[%dma_start3A_459] : memref<16384xf32, #tpu.memory_space<vmem>> -> memref<8192xf32, #tpu.memory_space<vmem>>
    tpu.enqueue_dma source(%dma_start3A_460 : memref<8192xf32, #tpu.memory_space<vmem>>) target(%dma_start3A_458 : memref<8192xf32, #tpu.memory_space<hbm>>) target_semaphore(%arg8 : memref<!tpu.dma_semaphore, #tpu.memory_space<semaphore_mem>>)
    %add3A_461 = arith.constant 416 : i32
    %add3A_462 = arith.addi %add3A_461, %add3A : i32
    %mul3A_463 = arith.constant 16384 : i32
    %mul3A_464 = arith.muli %add3A_462, %mul3A_463 : i32
    %add3A_465 = arith.constant 8192 : i32
    %add3A_466 = arith.addi %mul3A_464, %add3A_465 : i32
    %multiple_of3A_467 = tpu.assume_multiple %add3A_466, 8192 : i32
    %dma_start3A_468 = arith.constant 8192 : i32
    %dma_start3A_469 = tpu.memref_slice %arg7[%dma_start3A_468] : memref<16384xf32, #tpu.memory_space<vmem>> -> memref<8192xf32, #tpu.memory_space<vmem>>
    %dma_start3A_470 = tpu.memref_slice %arg4[%multiple_of3A_467] : memref<8388608xf32, #tpu.memory_space<hbm>> -> memref<8192xf32, #tpu.memory_space<hbm>>
    %dma_start3A_471 = tpu.memref_slice %arg4[%multiple_of3A_467] : memref<8388608xf32, #tpu.memory_space<hbm>> -> memref<8192xf32, #tpu.memory_space<hbm>>
    %dma_start3A_472 = arith.constant 8192 : i32
    %dma_start3A_473 = tpu.memref_slice %arg7[%dma_start3A_472] : memref<16384xf32, #tpu.memory_space<vmem>> -> memref<8192xf32, #tpu.memory_space<vmem>>
    tpu.enqueue_dma source(%dma_start3A_473 : memref<8192xf32, #tpu.memory_space<vmem>>) target(%dma_start3A_471 : memref<8192xf32, #tpu.memory_space<hbm>>) target_semaphore(%arg8 : memref<!tpu.dma_semaphore, #tpu.memory_space<semaphore_mem>>)
    %add3A_474 = arith.constant 448 : i32
    %add3A_475 = arith.addi %add3A_474, %add3A : i32
    %mul3A_476 = arith.constant 16384 : i32
    %mul3A_477 = arith.muli %add3A_475, %mul3A_476 : i32
    %add3A_478 = arith.constant 8192 : i32
    %add3A_479 = arith.addi %mul3A_477, %add3A_478 : i32
    %multiple_of3A_480 = tpu.assume_multiple %add3A_479, 8192 : i32
    %dma_start3A_481 = arith.constant 8192 : i32
    %dma_start3A_482 = tpu.memref_slice %arg7[%dma_start3A_481] : memref<16384xf32, #tpu.memory_space<vmem>> -> memref<8192xf32, #tpu.memory_space<vmem>>
    %dma_start3A_483 = tpu.memref_slice %arg4[%multiple_of3A_480] : memref<8388608xf32, #tpu.memory_space<hbm>> -> memref<8192xf32, #tpu.memory_space<hbm>>
    %dma_start3A_484 = tpu.memref_slice %arg4[%multiple_of3A_480] : memref<8388608xf32, #tpu.memory_space<hbm>> -> memref<8192xf32, #tpu.memory_space<hbm>>
    %dma_start3A_485 = arith.constant 8192 : i32
    %dma_start3A_486 = tpu.memref_slice %arg7[%dma_start3A_485] : memref<16384xf32, #tpu.memory_space<vmem>> -> memref<8192xf32, #tpu.memory_space<vmem>>
    tpu.enqueue_dma source(%dma_start3A_486 : memref<8192xf32, #tpu.memory_space<vmem>>) target(%dma_start3A_484 : memref<8192xf32, #tpu.memory_space<hbm>>) target_semaphore(%arg8 : memref<!tpu.dma_semaphore, #tpu.memory_space<semaphore_mem>>)
    %add3A_487 = arith.constant 480 : i32
    %add3A_488 = arith.addi %add3A_487, %add3A : i32
    %mul3A_489 = arith.constant 16384 : i32
    %mul3A_490 = arith.muli %add3A_488, %mul3A_489 : i32
    %add3A_491 = arith.constant 8192 : i32
    %add3A_492 = arith.addi %mul3A_490, %add3A_491 : i32
    %multiple_of3A_493 = tpu.assume_multiple %add3A_492, 8192 : i32
    %dma_start3A_494 = arith.constant 8192 : i32
    %dma_start3A_495 = tpu.memref_slice %arg7[%dma_start3A_494] : memref<16384xf32, #tpu.memory_space<vmem>> -> memref<8192xf32, #tpu.memory_space<vmem>>
    %dma_start3A_496 = tpu.memref_slice %arg4[%multiple_of3A_493] : memref<8388608xf32, #tpu.memory_space<hbm>> -> memref<8192xf32, #tpu.memory_space<hbm>>
    %dma_start3A_497 = tpu.memref_slice %arg4[%multiple_of3A_493] : memref<8388608xf32, #tpu.memory_space<hbm>> -> memref<8192xf32, #tpu.memory_space<hbm>>
    %dma_start3A_498 = arith.constant 8192 : i32
    %dma_start3A_499 = tpu.memref_slice %arg7[%dma_start3A_498] : memref<16384xf32, #tpu.memory_space<vmem>> -> memref<8192xf32, #tpu.memory_space<vmem>>
    tpu.enqueue_dma source(%dma_start3A_499 : memref<8192xf32, #tpu.memory_space<vmem>>) target(%dma_start3A_497 : memref<8192xf32, #tpu.memory_space<hbm>>) target_semaphore(%arg8 : memref<!tpu.dma_semaphore, #tpu.memory_space<semaphore_mem>>)
    %dma_wait3A = arith.constant 0 : i32
    %dma_wait3A_500 = tpu.memref_slice %arg7[%dma_wait3A] : memref<16384xf32, #tpu.memory_space<vmem>> -> memref<8192xf32, #tpu.memory_space<vmem>>
    %dma_wait3A_501 = tpu.memref_slice %arg4[%multiple_of3A_85] : memref<8388608xf32, #tpu.memory_space<hbm>> -> memref<8192xf32, #tpu.memory_space<hbm>>
    %dma_wait3A_502 = tpu.memref_slice %arg4[%multiple_of3A_85] : memref<8388608xf32, #tpu.memory_space<hbm>> -> memref<8192xf32, #tpu.memory_space<hbm>>
    %dma_wait3A_503 = arith.constant 0 : i32
    %dma_wait3A_504 = tpu.memref_slice %arg7[%dma_wait3A_503] : memref<16384xf32, #tpu.memory_space<vmem>> -> memref<8192xf32, #tpu.memory_space<vmem>>
    tpu.wait_dma2 semaphore(%arg8 : memref<!tpu.dma_semaphore, #tpu.memory_space<semaphore_mem>>) src(%dma_wait3A_504 : memref<8192xf32, #tpu.memory_space<vmem>>) dst(%dma_wait3A_502 : memref<8192xf32, #tpu.memory_space<hbm>>)
    %dma_wait3A_505 = arith.constant 0 : i32
    %dma_wait3A_506 = tpu.memref_slice %arg7[%dma_wait3A_505] : memref<16384xf32, #tpu.memory_space<vmem>> -> memref<8192xf32, #tpu.memory_space<vmem>>
    %dma_wait3A_507 = tpu.memref_slice %arg4[%multiple_of3A_97] : memref<8388608xf32, #tpu.memory_space<hbm>> -> memref<8192xf32, #tpu.memory_space<hbm>>
    %dma_wait3A_508 = tpu.memref_slice %arg4[%multiple_of3A_97] : memref<8388608xf32, #tpu.memory_space<hbm>> -> memref<8192xf32, #tpu.memory_space<hbm>>
    %dma_wait3A_509 = arith.constant 0 : i32
    %dma_wait3A_510 = tpu.memref_slice %arg7[%dma_wait3A_509] : memref<16384xf32, #tpu.memory_space<vmem>> -> memref<8192xf32, #tpu.memory_space<vmem>>
    tpu.wait_dma2 semaphore(%arg8 : memref<!tpu.dma_semaphore, #tpu.memory_space<semaphore_mem>>) src(%dma_wait3A_510 : memref<8192xf32, #tpu.memory_space<vmem>>) dst(%dma_wait3A_508 : memref<8192xf32, #tpu.memory_space<hbm>>)
    %dma_wait3A_511 = arith.constant 0 : i32
    %dma_wait3A_512 = tpu.memref_slice %arg7[%dma_wait3A_511] : memref<16384xf32, #tpu.memory_space<vmem>> -> memref<8192xf32, #tpu.memory_space<vmem>>
    %dma_wait3A_513 = tpu.memref_slice %arg4[%multiple_of3A_110] : memref<8388608xf32, #tpu.memory_space<hbm>> -> memref<8192xf32, #tpu.memory_space<hbm>>
    %dma_wait3A_514 = tpu.memref_slice %arg4[%multiple_of3A_110] : memref<8388608xf32, #tpu.memory_space<hbm>> -> memref<8192xf32, #tpu.memory_space<hbm>>
    %dma_wait3A_515 = arith.constant 0 : i32
    %dma_wait3A_516 = tpu.memref_slice %arg7[%dma_wait3A_515] : memref<16384xf32, #tpu.memory_space<vmem>> -> memref<8192xf32, #tpu.memory_space<vmem>>
    tpu.wait_dma2 semaphore(%arg8 : memref<!tpu.dma_semaphore, #tpu.memory_space<semaphore_mem>>) src(%dma_wait3A_516 : memref<8192xf32, #tpu.memory_space<vmem>>) dst(%dma_wait3A_514 : memref<8192xf32, #tpu.memory_space<hbm>>)
    %dma_wait3A_517 = arith.constant 0 : i32
    %dma_wait3A_518 = tpu.memref_slice %arg7[%dma_wait3A_517] : memref<16384xf32, #tpu.memory_space<vmem>> -> memref<8192xf32, #tpu.memory_space<vmem>>
    %dma_wait3A_519 = tpu.memref_slice %arg4[%multiple_of3A_123] : memref<8388608xf32, #tpu.memory_space<hbm>> -> memref<8192xf32, #tpu.memory_space<hbm>>
    %dma_wait3A_520 = tpu.memref_slice %arg4[%multiple_of3A_123] : memref<8388608xf32, #tpu.memory_space<hbm>> -> memref<8192xf32, #tpu.memory_space<hbm>>
    %dma_wait3A_521 = arith.constant 0 : i32
    %dma_wait3A_522 = tpu.memref_slice %arg7[%dma_wait3A_521] : memref<16384xf32, #tpu.memory_space<vmem>> -> memref<8192xf32, #tpu.memory_space<vmem>>
    tpu.wait_dma2 semaphore(%arg8 : memref<!tpu.dma_semaphore, #tpu.memory_space<semaphore_mem>>) src(%dma_wait3A_522 : memref<8192xf32, #tpu.memory_space<vmem>>) dst(%dma_wait3A_520 : memref<8192xf32, #tpu.memory_space<hbm>>)
    %dma_wait3A_523 = arith.constant 0 : i32
    %dma_wait3A_524 = tpu.memref_slice %arg7[%dma_wait3A_523] : memref<16384xf32, #tpu.memory_space<vmem>> -> memref<8192xf32, #tpu.memory_space<vmem>>
    %dma_wait3A_525 = tpu.memref_slice %arg4[%multiple_of3A_136] : memref<8388608xf32, #tpu.memory_space<hbm>> -> memref<8192xf32, #tpu.memory_space<hbm>>
    %dma_wait3A_526 = tpu.memref_slice %arg4[%multiple_of3A_136] : memref<8388608xf32, #tpu.memory_space<hbm>> -> memref<8192xf32, #tpu.memory_space<hbm>>
    %dma_wait3A_527 = arith.constant 0 : i32
    %dma_wait3A_528 = tpu.memref_slice %arg7[%dma_wait3A_527] : memref<16384xf32, #tpu.memory_space<vmem>> -> memref<8192xf32, #tpu.memory_space<vmem>>
    tpu.wait_dma2 semaphore(%arg8 : memref<!tpu.dma_semaphore, #tpu.memory_space<semaphore_mem>>) src(%dma_wait3A_528 : memref<8192xf32, #tpu.memory_space<vmem>>) dst(%dma_wait3A_526 : memref<8192xf32, #tpu.memory_space<hbm>>)
    %dma_wait3A_529 = arith.constant 0 : i32
    %dma_wait3A_530 = tpu.memref_slice %arg7[%dma_wait3A_529] : memref<16384xf32, #tpu.memory_space<vmem>> -> memref<8192xf32, #tpu.memory_space<vmem>>
    %dma_wait3A_531 = tpu.memref_slice %arg4[%multiple_of3A_149] : memref<8388608xf32, #tpu.memory_space<hbm>> -> memref<8192xf32, #tpu.memory_space<hbm>>
    %dma_wait3A_532 = tpu.memref_slice %arg4[%multiple_of3A_149] : memref<8388608xf32, #tpu.memory_space<hbm>> -> memref<8192xf32, #tpu.memory_space<hbm>>
    %dma_wait3A_533 = arith.constant 0 : i32
    %dma_wait3A_534 = tpu.memref_slice %arg7[%dma_wait3A_533] : memref<16384xf32, #tpu.memory_space<vmem>> -> memref<8192xf32, #tpu.memory_space<vmem>>
    tpu.wait_dma2 semaphore(%arg8 : memref<!tpu.dma_semaphore, #tpu.memory_space<semaphore_mem>>) src(%dma_wait3A_534 : memref<8192xf32, #tpu.memory_space<vmem>>) dst(%dma_wait3A_532 : memref<8192xf32, #tpu.memory_space<hbm>>)
    %dma_wait3A_535 = arith.constant 0 : i32
    %dma_wait3A_536 = tpu.memref_slice %arg7[%dma_wait3A_535] : memref<16384xf32, #tpu.memory_space<vmem>> -> memref<8192xf32, #tpu.memory_space<vmem>>
    %dma_wait3A_537 = tpu.memref_slice %arg4[%multiple_of3A_162] : memref<8388608xf32, #tpu.memory_space<hbm>> -> memref<8192xf32, #tpu.memory_space<hbm>>
    %dma_wait3A_538 = tpu.memref_slice %arg4[%multiple_of3A_162] : memref<8388608xf32, #tpu.memory_space<hbm>> -> memref<8192xf32, #tpu.memory_space<hbm>>
    %dma_wait3A_539 = arith.constant 0 : i32
    %dma_wait3A_540 = tpu.memref_slice %arg7[%dma_wait3A_539] : memref<16384xf32, #tpu.memory_space<vmem>> -> memref<8192xf32, #tpu.memory_space<vmem>>
    tpu.wait_dma2 semaphore(%arg8 : memref<!tpu.dma_semaphore, #tpu.memory_space<semaphore_mem>>) src(%dma_wait3A_540 : memref<8192xf32, #tpu.memory_space<vmem>>) dst(%dma_wait3A_538 : memref<8192xf32, #tpu.memory_space<hbm>>)
    %dma_wait3A_541 = arith.constant 0 : i32
    %dma_wait3A_542 = tpu.memref_slice %arg7[%dma_wait3A_541] : memref<16384xf32, #tpu.memory_space<vmem>> -> memref<8192xf32, #tpu.memory_space<vmem>>
    %dma_wait3A_543 = tpu.memref_slice %arg4[%multiple_of3A_175] : memref<8388608xf32, #tpu.memory_space<hbm>> -> memref<8192xf32, #tpu.memory_space<hbm>>
    %dma_wait3A_544 = tpu.memref_slice %arg4[%multiple_of3A_175] : memref<8388608xf32, #tpu.memory_space<hbm>> -> memref<8192xf32, #tpu.memory_space<hbm>>
    %dma_wait3A_545 = arith.constant 0 : i32
    %dma_wait3A_546 = tpu.memref_slice %arg7[%dma_wait3A_545] : memref<16384xf32, #tpu.memory_space<vmem>> -> memref<8192xf32, #tpu.memory_space<vmem>>
    tpu.wait_dma2 semaphore(%arg8 : memref<!tpu.dma_semaphore, #tpu.memory_space<semaphore_mem>>) src(%dma_wait3A_546 : memref<8192xf32, #tpu.memory_space<vmem>>) dst(%dma_wait3A_544 : memref<8192xf32, #tpu.memory_space<hbm>>)
    %dma_wait3A_547 = arith.constant 0 : i32
    %dma_wait3A_548 = tpu.memref_slice %arg7[%dma_wait3A_547] : memref<16384xf32, #tpu.memory_space<vmem>> -> memref<8192xf32, #tpu.memory_space<vmem>>
    %dma_wait3A_549 = tpu.memref_slice %arg4[%multiple_of3A_188] : memref<8388608xf32, #tpu.memory_space<hbm>> -> memref<8192xf32, #tpu.memory_space<hbm>>
    %dma_wait3A_550 = tpu.memref_slice %arg4[%multiple_of3A_188] : memref<8388608xf32, #tpu.memory_space<hbm>> -> memref<8192xf32, #tpu.memory_space<hbm>>
    %dma_wait3A_551 = arith.constant 0 : i32
    %dma_wait3A_552 = tpu.memref_slice %arg7[%dma_wait3A_551] : memref<16384xf32, #tpu.memory_space<vmem>> -> memref<8192xf32, #tpu.memory_space<vmem>>
    tpu.wait_dma2 semaphore(%arg8 : memref<!tpu.dma_semaphore, #tpu.memory_space<semaphore_mem>>) src(%dma_wait3A_552 : memref<8192xf32, #tpu.memory_space<vmem>>) dst(%dma_wait3A_550 : memref<8192xf32, #tpu.memory_space<hbm>>)
    %dma_wait3A_553 = arith.constant 0 : i32
    %dma_wait3A_554 = tpu.memref_slice %arg7[%dma_wait3A_553] : memref<16384xf32, #tpu.memory_space<vmem>> -> memref<8192xf32, #tpu.memory_space<vmem>>
    %dma_wait3A_555 = tpu.memref_slice %arg4[%multiple_of3A_201] : memref<8388608xf32, #tpu.memory_space<hbm>> -> memref<8192xf32, #tpu.memory_space<hbm>>
    %dma_wait3A_556 = tpu.memref_slice %arg4[%multiple_of3A_201] : memref<8388608xf32, #tpu.memory_space<hbm>> -> memref<8192xf32, #tpu.memory_space<hbm>>
    %dma_wait3A_557 = arith.constant 0 : i32
    %dma_wait3A_558 = tpu.memref_slice %arg7[%dma_wait3A_557] : memref<16384xf32, #tpu.memory_space<vmem>> -> memref<8192xf32, #tpu.memory_space<vmem>>
    tpu.wait_dma2 semaphore(%arg8 : memref<!tpu.dma_semaphore, #tpu.memory_space<semaphore_mem>>) src(%dma_wait3A_558 : memref<8192xf32, #tpu.memory_space<vmem>>) dst(%dma_wait3A_556 : memref<8192xf32, #tpu.memory_space<hbm>>)
    %dma_wait3A_559 = arith.constant 0 : i32
    %dma_wait3A_560 = tpu.memref_slice %arg7[%dma_wait3A_559] : memref<16384xf32, #tpu.memory_space<vmem>> -> memref<8192xf32, #tpu.memory_space<vmem>>
    %dma_wait3A_561 = tpu.memref_slice %arg4[%multiple_of3A_214] : memref<8388608xf32, #tpu.memory_space<hbm>> -> memref<8192xf32, #tpu.memory_space<hbm>>
    %dma_wait3A_562 = tpu.memref_slice %arg4[%multiple_of3A_214] : memref<8388608xf32, #tpu.memory_space<hbm>> -> memref<8192xf32, #tpu.memory_space<hbm>>
    %dma_wait3A_563 = arith.constant 0 : i32
    %dma_wait3A_564 = tpu.memref_slice %arg7[%dma_wait3A_563] : memref<16384xf32, #tpu.memory_space<vmem>> -> memref<8192xf32, #tpu.memory_space<vmem>>
    tpu.wait_dma2 semaphore(%arg8 : memref<!tpu.dma_semaphore, #tpu.memory_space<semaphore_mem>>) src(%dma_wait3A_564 : memref<8192xf32, #tpu.memory_space<vmem>>) dst(%dma_wait3A_562 : memref<8192xf32, #tpu.memory_space<hbm>>)
    %dma_wait3A_565 = arith.constant 0 : i32
    %dma_wait3A_566 = tpu.memref_slice %arg7[%dma_wait3A_565] : memref<16384xf32, #tpu.memory_space<vmem>> -> memref<8192xf32, #tpu.memory_space<vmem>>
    %dma_wait3A_567 = tpu.memref_slice %arg4[%multiple_of3A_227] : memref<8388608xf32, #tpu.memory_space<hbm>> -> memref<8192xf32, #tpu.memory_space<hbm>>
    %dma_wait3A_568 = tpu.memref_slice %arg4[%multiple_of3A_227] : memref<8388608xf32, #tpu.memory_space<hbm>> -> memref<8192xf32, #tpu.memory_space<hbm>>
    %dma_wait3A_569 = arith.constant 0 : i32
    %dma_wait3A_570 = tpu.memref_slice %arg7[%dma_wait3A_569] : memref<16384xf32, #tpu.memory_space<vmem>> -> memref<8192xf32, #tpu.memory_space<vmem>>
    tpu.wait_dma2 semaphore(%arg8 : memref<!tpu.dma_semaphore, #tpu.memory_space<semaphore_mem>>) src(%dma_wait3A_570 : memref<8192xf32, #tpu.memory_space<vmem>>) dst(%dma_wait3A_568 : memref<8192xf32, #tpu.memory_space<hbm>>)
    %dma_wait3A_571 = arith.constant 0 : i32
    %dma_wait3A_572 = tpu.memref_slice %arg7[%dma_wait3A_571] : memref<16384xf32, #tpu.memory_space<vmem>> -> memref<8192xf32, #tpu.memory_space<vmem>>
    %dma_wait3A_573 = tpu.memref_slice %arg4[%multiple_of3A_240] : memref<8388608xf32, #tpu.memory_space<hbm>> -> memref<8192xf32, #tpu.memory_space<hbm>>
    %dma_wait3A_574 = tpu.memref_slice %arg4[%multiple_of3A_240] : memref<8388608xf32, #tpu.memory_space<hbm>> -> memref<8192xf32, #tpu.memory_space<hbm>>
    %dma_wait3A_575 = arith.constant 0 : i32
    %dma_wait3A_576 = tpu.memref_slice %arg7[%dma_wait3A_575] : memref<16384xf32, #tpu.memory_space<vmem>> -> memref<8192xf32, #tpu.memory_space<vmem>>
    tpu.wait_dma2 semaphore(%arg8 : memref<!tpu.dma_semaphore, #tpu.memory_space<semaphore_mem>>) src(%dma_wait3A_576 : memref<8192xf32, #tpu.memory_space<vmem>>) dst(%dma_wait3A_574 : memref<8192xf32, #tpu.memory_space<hbm>>)
    %dma_wait3A_577 = arith.constant 0 : i32
    %dma_wait3A_578 = tpu.memref_slice %arg7[%dma_wait3A_577] : memref<16384xf32, #tpu.memory_space<vmem>> -> memref<8192xf32, #tpu.memory_space<vmem>>
    %dma_wait3A_579 = tpu.memref_slice %arg4[%multiple_of3A_253] : memref<8388608xf32, #tpu.memory_space<hbm>> -> memref<8192xf32, #tpu.memory_space<hbm>>
    %dma_wait3A_580 = tpu.memref_slice %arg4[%multiple_of3A_253] : memref<8388608xf32, #tpu.memory_space<hbm>> -> memref<8192xf32, #tpu.memory_space<hbm>>
    %dma_wait3A_581 = arith.constant 0 : i32
    %dma_wait3A_582 = tpu.memref_slice %arg7[%dma_wait3A_581] : memref<16384xf32, #tpu.memory_space<vmem>> -> memref<8192xf32, #tpu.memory_space<vmem>>
    tpu.wait_dma2 semaphore(%arg8 : memref<!tpu.dma_semaphore, #tpu.memory_space<semaphore_mem>>) src(%dma_wait3A_582 : memref<8192xf32, #tpu.memory_space<vmem>>) dst(%dma_wait3A_580 : memref<8192xf32, #tpu.memory_space<hbm>>)
    %dma_wait3A_583 = arith.constant 0 : i32
    %dma_wait3A_584 = tpu.memref_slice %arg7[%dma_wait3A_583] : memref<16384xf32, #tpu.memory_space<vmem>> -> memref<8192xf32, #tpu.memory_space<vmem>>
    %dma_wait3A_585 = tpu.memref_slice %arg4[%multiple_of3A_266] : memref<8388608xf32, #tpu.memory_space<hbm>> -> memref<8192xf32, #tpu.memory_space<hbm>>
    %dma_wait3A_586 = tpu.memref_slice %arg4[%multiple_of3A_266] : memref<8388608xf32, #tpu.memory_space<hbm>> -> memref<8192xf32, #tpu.memory_space<hbm>>
    %dma_wait3A_587 = arith.constant 0 : i32
    %dma_wait3A_588 = tpu.memref_slice %arg7[%dma_wait3A_587] : memref<16384xf32, #tpu.memory_space<vmem>> -> memref<8192xf32, #tpu.memory_space<vmem>>
    tpu.wait_dma2 semaphore(%arg8 : memref<!tpu.dma_semaphore, #tpu.memory_space<semaphore_mem>>) src(%dma_wait3A_588 : memref<8192xf32, #tpu.memory_space<vmem>>) dst(%dma_wait3A_586 : memref<8192xf32, #tpu.memory_space<hbm>>)
    %dma_wait3A_589 = arith.constant 0 : i32
    %dma_wait3A_590 = tpu.memref_slice %arg7[%dma_wait3A_589] : memref<16384xf32, #tpu.memory_space<vmem>> -> memref<8192xf32, #tpu.memory_space<vmem>>
    %dma_wait3A_591 = tpu.memref_slice %arg4[%multiple_of3A_279] : memref<8388608xf32, #tpu.memory_space<hbm>> -> memref<8192xf32, #tpu.memory_space<hbm>>
    %dma_wait3A_592 = tpu.memref_slice %arg4[%multiple_of3A_279] : memref<8388608xf32, #tpu.memory_space<hbm>> -> memref<8192xf32, #tpu.memory_space<hbm>>
    %dma_wait3A_593 = arith.constant 0 : i32
    %dma_wait3A_594 = tpu.memref_slice %arg7[%dma_wait3A_593] : memref<16384xf32, #tpu.memory_space<vmem>> -> memref<8192xf32, #tpu.memory_space<vmem>>
    tpu.wait_dma2 semaphore(%arg8 : memref<!tpu.dma_semaphore, #tpu.memory_space<semaphore_mem>>) src(%dma_wait3A_594 : memref<8192xf32, #tpu.memory_space<vmem>>) dst(%dma_wait3A_592 : memref<8192xf32, #tpu.memory_space<hbm>>)
    %dma_wait3A_595 = arith.constant 8192 : i32
    %dma_wait3A_596 = tpu.memref_slice %arg7[%dma_wait3A_595] : memref<16384xf32, #tpu.memory_space<vmem>> -> memref<8192xf32, #tpu.memory_space<vmem>>
    %dma_wait3A_597 = tpu.memref_slice %arg4[%multiple_of3A_298] : memref<8388608xf32, #tpu.memory_space<hbm>> -> memref<8192xf32, #tpu.memory_space<hbm>>
    %dma_wait3A_598 = tpu.memref_slice %arg4[%multiple_of3A_298] : memref<8388608xf32, #tpu.memory_space<hbm>> -> memref<8192xf32, #tpu.memory_space<hbm>>
    %dma_wait3A_599 = arith.constant 8192 : i32
    %dma_wait3A_600 = tpu.memref_slice %arg7[%dma_wait3A_599] : memref<16384xf32, #tpu.memory_space<vmem>> -> memref<8192xf32, #tpu.memory_space<vmem>>
    tpu.wait_dma2 semaphore(%arg8 : memref<!tpu.dma_semaphore, #tpu.memory_space<semaphore_mem>>) src(%dma_wait3A_600 : memref<8192xf32, #tpu.memory_space<vmem>>) dst(%dma_wait3A_598 : memref<8192xf32, #tpu.memory_space<hbm>>)
    %dma_wait3A_601 = arith.constant 8192 : i32
    %dma_wait3A_602 = tpu.memref_slice %arg7[%dma_wait3A_601] : memref<16384xf32, #tpu.memory_space<vmem>> -> memref<8192xf32, #tpu.memory_space<vmem>>
    %dma_wait3A_603 = tpu.memref_slice %arg4[%multiple_of3A_311] : memref<8388608xf32, #tpu.memory_space<hbm>> -> memref<8192xf32, #tpu.memory_space<hbm>>
    %dma_wait3A_604 = tpu.memref_slice %arg4[%multiple_of3A_311] : memref<8388608xf32, #tpu.memory_space<hbm>> -> memref<8192xf32, #tpu.memory_space<hbm>>
    %dma_wait3A_605 = arith.constant 8192 : i32
    %dma_wait3A_606 = tpu.memref_slice %arg7[%dma_wait3A_605] : memref<16384xf32, #tpu.memory_space<vmem>> -> memref<8192xf32, #tpu.memory_space<vmem>>
    tpu.wait_dma2 semaphore(%arg8 : memref<!tpu.dma_semaphore, #tpu.memory_space<semaphore_mem>>) src(%dma_wait3A_606 : memref<8192xf32, #tpu.memory_space<vmem>>) dst(%dma_wait3A_604 : memref<8192xf32, #tpu.memory_space<hbm>>)
    %dma_wait3A_607 = arith.constant 8192 : i32
    %dma_wait3A_608 = tpu.memref_slice %arg7[%dma_wait3A_607] : memref<16384xf32, #tpu.memory_space<vmem>> -> memref<8192xf32, #tpu.memory_space<vmem>>
    %dma_wait3A_609 = tpu.memref_slice %arg4[%multiple_of3A_324] : memref<8388608xf32, #tpu.memory_space<hbm>> -> memref<8192xf32, #tpu.memory_space<hbm>>
    %dma_wait3A_610 = tpu.memref_slice %arg4[%multiple_of3A_324] : memref<8388608xf32, #tpu.memory_space<hbm>> -> memref<8192xf32, #tpu.memory_space<hbm>>
    %dma_wait3A_611 = arith.constant 8192 : i32
    %dma_wait3A_612 = tpu.memref_slice %arg7[%dma_wait3A_611] : memref<16384xf32, #tpu.memory_space<vmem>> -> memref<8192xf32, #tpu.memory_space<vmem>>
    tpu.wait_dma2 semaphore(%arg8 : memref<!tpu.dma_semaphore, #tpu.memory_space<semaphore_mem>>) src(%dma_wait3A_612 : memref<8192xf32, #tpu.memory_space<vmem>>) dst(%dma_wait3A_610 : memref<8192xf32, #tpu.memory_space<hbm>>)
    %dma_wait3A_613 = arith.constant 8192 : i32
    %dma_wait3A_614 = tpu.memref_slice %arg7[%dma_wait3A_613] : memref<16384xf32, #tpu.memory_space<vmem>> -> memref<8192xf32, #tpu.memory_space<vmem>>
    %dma_wait3A_615 = tpu.memref_slice %arg4[%multiple_of3A_337] : memref<8388608xf32, #tpu.memory_space<hbm>> -> memref<8192xf32, #tpu.memory_space<hbm>>
    %dma_wait3A_616 = tpu.memref_slice %arg4[%multiple_of3A_337] : memref<8388608xf32, #tpu.memory_space<hbm>> -> memref<8192xf32, #tpu.memory_space<hbm>>
    %dma_wait3A_617 = arith.constant 8192 : i32
    %dma_wait3A_618 = tpu.memref_slice %arg7[%dma_wait3A_617] : memref<16384xf32, #tpu.memory_space<vmem>> -> memref<8192xf32, #tpu.memory_space<vmem>>
    tpu.wait_dma2 semaphore(%arg8 : memref<!tpu.dma_semaphore, #tpu.memory_space<semaphore_mem>>) src(%dma_wait3A_618 : memref<8192xf32, #tpu.memory_space<vmem>>) dst(%dma_wait3A_616 : memref<8192xf32, #tpu.memory_space<hbm>>)
    %dma_wait3A_619 = arith.constant 8192 : i32
    %dma_wait3A_620 = tpu.memref_slice %arg7[%dma_wait3A_619] : memref<16384xf32, #tpu.memory_space<vmem>> -> memref<8192xf32, #tpu.memory_space<vmem>>
    %dma_wait3A_621 = tpu.memref_slice %arg4[%multiple_of3A_350] : memref<8388608xf32, #tpu.memory_space<hbm>> -> memref<8192xf32, #tpu.memory_space<hbm>>
    %dma_wait3A_622 = tpu.memref_slice %arg4[%multiple_of3A_350] : memref<8388608xf32, #tpu.memory_space<hbm>> -> memref<8192xf32, #tpu.memory_space<hbm>>
    %dma_wait3A_623 = arith.constant 8192 : i32
    %dma_wait3A_624 = tpu.memref_slice %arg7[%dma_wait3A_623] : memref<16384xf32, #tpu.memory_space<vmem>> -> memref<8192xf32, #tpu.memory_space<vmem>>
    tpu.wait_dma2 semaphore(%arg8 : memref<!tpu.dma_semaphore, #tpu.memory_space<semaphore_mem>>) src(%dma_wait3A_624 : memref<8192xf32, #tpu.memory_space<vmem>>) dst(%dma_wait3A_622 : memref<8192xf32, #tpu.memory_space<hbm>>)
    %dma_wait3A_625 = arith.constant 8192 : i32
    %dma_wait3A_626 = tpu.memref_slice %arg7[%dma_wait3A_625] : memref<16384xf32, #tpu.memory_space<vmem>> -> memref<8192xf32, #tpu.memory_space<vmem>>
    %dma_wait3A_627 = tpu.memref_slice %arg4[%multiple_of3A_363] : memref<8388608xf32, #tpu.memory_space<hbm>> -> memref<8192xf32, #tpu.memory_space<hbm>>
    %dma_wait3A_628 = tpu.memref_slice %arg4[%multiple_of3A_363] : memref<8388608xf32, #tpu.memory_space<hbm>> -> memref<8192xf32, #tpu.memory_space<hbm>>
    %dma_wait3A_629 = arith.constant 8192 : i32
    %dma_wait3A_630 = tpu.memref_slice %arg7[%dma_wait3A_629] : memref<16384xf32, #tpu.memory_space<vmem>> -> memref<8192xf32, #tpu.memory_space<vmem>>
    tpu.wait_dma2 semaphore(%arg8 : memref<!tpu.dma_semaphore, #tpu.memory_space<semaphore_mem>>) src(%dma_wait3A_630 : memref<8192xf32, #tpu.memory_space<vmem>>) dst(%dma_wait3A_628 : memref<8192xf32, #tpu.memory_space<hbm>>)
    %dma_wait3A_631 = arith.constant 8192 : i32
    %dma_wait3A_632 = tpu.memref_slice %arg7[%dma_wait3A_631] : memref<16384xf32, #tpu.memory_space<vmem>> -> memref<8192xf32, #tpu.memory_space<vmem>>
    %dma_wait3A_633 = tpu.memref_slice %arg4[%multiple_of3A_376] : memref<8388608xf32, #tpu.memory_space<hbm>> -> memref<8192xf32, #tpu.memory_space<hbm>>
    %dma_wait3A_634 = tpu.memref_slice %arg4[%multiple_of3A_376] : memref<8388608xf32, #tpu.memory_space<hbm>> -> memref<8192xf32, #tpu.memory_space<hbm>>
    %dma_wait3A_635 = arith.constant 8192 : i32
    %dma_wait3A_636 = tpu.memref_slice %arg7[%dma_wait3A_635] : memref<16384xf32, #tpu.memory_space<vmem>> -> memref<8192xf32, #tpu.memory_space<vmem>>
    tpu.wait_dma2 semaphore(%arg8 : memref<!tpu.dma_semaphore, #tpu.memory_space<semaphore_mem>>) src(%dma_wait3A_636 : memref<8192xf32, #tpu.memory_space<vmem>>) dst(%dma_wait3A_634 : memref<8192xf32, #tpu.memory_space<hbm>>)
    %dma_wait3A_637 = arith.constant 8192 : i32
    %dma_wait3A_638 = tpu.memref_slice %arg7[%dma_wait3A_637] : memref<16384xf32, #tpu.memory_space<vmem>> -> memref<8192xf32, #tpu.memory_space<vmem>>
    %dma_wait3A_639 = tpu.memref_slice %arg4[%multiple_of3A_389] : memref<8388608xf32, #tpu.memory_space<hbm>> -> memref<8192xf32, #tpu.memory_space<hbm>>
    %dma_wait3A_640 = tpu.memref_slice %arg4[%multiple_of3A_389] : memref<8388608xf32, #tpu.memory_space<hbm>> -> memref<8192xf32, #tpu.memory_space<hbm>>
    %dma_wait3A_641 = arith.constant 8192 : i32
    %dma_wait3A_642 = tpu.memref_slice %arg7[%dma_wait3A_641] : memref<16384xf32, #tpu.memory_space<vmem>> -> memref<8192xf32, #tpu.memory_space<vmem>>
    tpu.wait_dma2 semaphore(%arg8 : memref<!tpu.dma_semaphore, #tpu.memory_space<semaphore_mem>>) src(%dma_wait3A_642 : memref<8192xf32, #tpu.memory_space<vmem>>) dst(%dma_wait3A_640 : memref<8192xf32, #tpu.memory_space<hbm>>)
    %dma_wait3A_643 = arith.constant 8192 : i32
    %dma_wait3A_644 = tpu.memref_slice %arg7[%dma_wait3A_643] : memref<16384xf32, #tpu.memory_space<vmem>> -> memref<8192xf32, #tpu.memory_space<vmem>>
    %dma_wait3A_645 = tpu.memref_slice %arg4[%multiple_of3A_402] : memref<8388608xf32, #tpu.memory_space<hbm>> -> memref<8192xf32, #tpu.memory_space<hbm>>
    %dma_wait3A_646 = tpu.memref_slice %arg4[%multiple_of3A_402] : memref<8388608xf32, #tpu.memory_space<hbm>> -> memref<8192xf32, #tpu.memory_space<hbm>>
    %dma_wait3A_647 = arith.constant 8192 : i32
    %dma_wait3A_648 = tpu.memref_slice %arg7[%dma_wait3A_647] : memref<16384xf32, #tpu.memory_space<vmem>> -> memref<8192xf32, #tpu.memory_space<vmem>>
    tpu.wait_dma2 semaphore(%arg8 : memref<!tpu.dma_semaphore, #tpu.memory_space<semaphore_mem>>) src(%dma_wait3A_648 : memref<8192xf32, #tpu.memory_space<vmem>>) dst(%dma_wait3A_646 : memref<8192xf32, #tpu.memory_space<hbm>>)
    %dma_wait3A_649 = arith.constant 8192 : i32
    %dma_wait3A_650 = tpu.memref_slice %arg7[%dma_wait3A_649] : memref<16384xf32, #tpu.memory_space<vmem>> -> memref<8192xf32, #tpu.memory_space<vmem>>
    %dma_wait3A_651 = tpu.memref_slice %arg4[%multiple_of3A_415] : memref<8388608xf32, #tpu.memory_space<hbm>> -> memref<8192xf32, #tpu.memory_space<hbm>>
    %dma_wait3A_652 = tpu.memref_slice %arg4[%multiple_of3A_415] : memref<8388608xf32, #tpu.memory_space<hbm>> -> memref<8192xf32, #tpu.memory_space<hbm>>
    %dma_wait3A_653 = arith.constant 8192 : i32
    %dma_wait3A_654 = tpu.memref_slice %arg7[%dma_wait3A_653] : memref<16384xf32, #tpu.memory_space<vmem>> -> memref<8192xf32, #tpu.memory_space<vmem>>
    tpu.wait_dma2 semaphore(%arg8 : memref<!tpu.dma_semaphore, #tpu.memory_space<semaphore_mem>>) src(%dma_wait3A_654 : memref<8192xf32, #tpu.memory_space<vmem>>) dst(%dma_wait3A_652 : memref<8192xf32, #tpu.memory_space<hbm>>)
    %dma_wait3A_655 = arith.constant 8192 : i32
    %dma_wait3A_656 = tpu.memref_slice %arg7[%dma_wait3A_655] : memref<16384xf32, #tpu.memory_space<vmem>> -> memref<8192xf32, #tpu.memory_space<vmem>>
    %dma_wait3A_657 = tpu.memref_slice %arg4[%multiple_of3A_428] : memref<8388608xf32, #tpu.memory_space<hbm>> -> memref<8192xf32, #tpu.memory_space<hbm>>
    %dma_wait3A_658 = tpu.memref_slice %arg4[%multiple_of3A_428] : memref<8388608xf32, #tpu.memory_space<hbm>> -> memref<8192xf32, #tpu.memory_space<hbm>>
    %dma_wait3A_659 = arith.constant 8192 : i32
    %dma_wait3A_660 = tpu.memref_slice %arg7[%dma_wait3A_659] : memref<16384xf32, #tpu.memory_space<vmem>> -> memref<8192xf32, #tpu.memory_space<vmem>>
    tpu.wait_dma2 semaphore(%arg8 : memref<!tpu.dma_semaphore, #tpu.memory_space<semaphore_mem>>) src(%dma_wait3A_660 : memref<8192xf32, #tpu.memory_space<vmem>>) dst(%dma_wait3A_658 : memref<8192xf32, #tpu.memory_space<hbm>>)
    %dma_wait3A_661 = arith.constant 8192 : i32
    %dma_wait3A_662 = tpu.memref_slice %arg7[%dma_wait3A_661] : memref<16384xf32, #tpu.memory_space<vmem>> -> memref<8192xf32, #tpu.memory_space<vmem>>
    %dma_wait3A_663 = tpu.memref_slice %arg4[%multiple_of3A_441] : memref<8388608xf32, #tpu.memory_space<hbm>> -> memref<8192xf32, #tpu.memory_space<hbm>>
    %dma_wait3A_664 = tpu.memref_slice %arg4[%multiple_of3A_441] : memref<8388608xf32, #tpu.memory_space<hbm>> -> memref<8192xf32, #tpu.memory_space<hbm>>
    %dma_wait3A_665 = arith.constant 8192 : i32
    %dma_wait3A_666 = tpu.memref_slice %arg7[%dma_wait3A_665] : memref<16384xf32, #tpu.memory_space<vmem>> -> memref<8192xf32, #tpu.memory_space<vmem>>
    tpu.wait_dma2 semaphore(%arg8 : memref<!tpu.dma_semaphore, #tpu.memory_space<semaphore_mem>>) src(%dma_wait3A_666 : memref<8192xf32, #tpu.memory_space<vmem>>) dst(%dma_wait3A_664 : memref<8192xf32, #tpu.memory_space<hbm>>)
    %dma_wait3A_667 = arith.constant 8192 : i32
    %dma_wait3A_668 = tpu.memref_slice %arg7[%dma_wait3A_667] : memref<16384xf32, #tpu.memory_space<vmem>> -> memref<8192xf32, #tpu.memory_space<vmem>>
    %dma_wait3A_669 = tpu.memref_slice %arg4[%multiple_of3A_454] : memref<8388608xf32, #tpu.memory_space<hbm>> -> memref<8192xf32, #tpu.memory_space<hbm>>
    %dma_wait3A_670 = tpu.memref_slice %arg4[%multiple_of3A_454] : memref<8388608xf32, #tpu.memory_space<hbm>> -> memref<8192xf32, #tpu.memory_space<hbm>>
    %dma_wait3A_671 = arith.constant 8192 : i32
    %dma_wait3A_672 = tpu.memref_slice %arg7[%dma_wait3A_671] : memref<16384xf32, #tpu.memory_space<vmem>> -> memref<8192xf32, #tpu.memory_space<vmem>>
    tpu.wait_dma2 semaphore(%arg8 : memref<!tpu.dma_semaphore, #tpu.memory_space<semaphore_mem>>) src(%dma_wait3A_672 : memref<8192xf32, #tpu.memory_space<vmem>>) dst(%dma_wait3A_670 : memref<8192xf32, #tpu.memory_space<hbm>>)
    %dma_wait3A_673 = arith.constant 8192 : i32
    %dma_wait3A_674 = tpu.memref_slice %arg7[%dma_wait3A_673] : memref<16384xf32, #tpu.memory_space<vmem>> -> memref<8192xf32, #tpu.memory_space<vmem>>
    %dma_wait3A_675 = tpu.memref_slice %arg4[%multiple_of3A_467] : memref<8388608xf32, #tpu.memory_space<hbm>> -> memref<8192xf32, #tpu.memory_space<hbm>>
    %dma_wait3A_676 = tpu.memref_slice %arg4[%multiple_of3A_467] : memref<8388608xf32, #tpu.memory_space<hbm>> -> memref<8192xf32, #tpu.memory_space<hbm>>
    %dma_wait3A_677 = arith.constant 8192 : i32
    %dma_wait3A_678 = tpu.memref_slice %arg7[%dma_wait3A_677] : memref<16384xf32, #tpu.memory_space<vmem>> -> memref<8192xf32, #tpu.memory_space<vmem>>
    tpu.wait_dma2 semaphore(%arg8 : memref<!tpu.dma_semaphore, #tpu.memory_space<semaphore_mem>>) src(%dma_wait3A_678 : memref<8192xf32, #tpu.memory_space<vmem>>) dst(%dma_wait3A_676 : memref<8192xf32, #tpu.memory_space<hbm>>)
    %dma_wait3A_679 = arith.constant 8192 : i32
    %dma_wait3A_680 = tpu.memref_slice %arg7[%dma_wait3A_679] : memref<16384xf32, #tpu.memory_space<vmem>> -> memref<8192xf32, #tpu.memory_space<vmem>>
    %dma_wait3A_681 = tpu.memref_slice %arg4[%multiple_of3A_480] : memref<8388608xf32, #tpu.memory_space<hbm>> -> memref<8192xf32, #tpu.memory_space<hbm>>
    %dma_wait3A_682 = tpu.memref_slice %arg4[%multiple_of3A_480] : memref<8388608xf32, #tpu.memory_space<hbm>> -> memref<8192xf32, #tpu.memory_space<hbm>>
    %dma_wait3A_683 = arith.constant 8192 : i32
    %dma_wait3A_684 = tpu.memref_slice %arg7[%dma_wait3A_683] : memref<16384xf32, #tpu.memory_space<vmem>> -> memref<8192xf32, #tpu.memory_space<vmem>>
    tpu.wait_dma2 semaphore(%arg8 : memref<!tpu.dma_semaphore, #tpu.memory_space<semaphore_mem>>) src(%dma_wait3A_684 : memref<8192xf32, #tpu.memory_space<vmem>>) dst(%dma_wait3A_682 : memref<8192xf32, #tpu.memory_space<hbm>>)
    %dma_wait3A_685 = arith.constant 8192 : i32
    %dma_wait3A_686 = tpu.memref_slice %arg7[%dma_wait3A_685] : memref<16384xf32, #tpu.memory_space<vmem>> -> memref<8192xf32, #tpu.memory_space<vmem>>
    %dma_wait3A_687 = tpu.memref_slice %arg4[%multiple_of3A_493] : memref<8388608xf32, #tpu.memory_space<hbm>> -> memref<8192xf32, #tpu.memory_space<hbm>>
    %dma_wait3A_688 = tpu.memref_slice %arg4[%multiple_of3A_493] : memref<8388608xf32, #tpu.memory_space<hbm>> -> memref<8192xf32, #tpu.memory_space<hbm>>
    %dma_wait3A_689 = arith.constant 8192 : i32
    %dma_wait3A_690 = tpu.memref_slice %arg7[%dma_wait3A_689] : memref<16384xf32, #tpu.memory_space<vmem>> -> memref<8192xf32, #tpu.memory_space<vmem>>
    tpu.wait_dma2 semaphore(%arg8 : memref<!tpu.dma_semaphore, #tpu.memory_space<semaphore_mem>>) src(%dma_wait3A_690 : memref<8192xf32, #tpu.memory_space<vmem>>) dst(%dma_wait3A_688 : memref<8192xf32, #tpu.memory_space<hbm>>)
    return
  }
}

</mosaic_0001>

<sc_bundles>
// kernel: kernel.3.cloned.1.call-start
scs
__scs_entry_jumppad:
0x0: {  	(pc) =	sbr.rel $0x88, $3  }
0x1: {  	(tag) =	ssettag $0x0;
	lr =	simm.s32 $0x1  }
0x2: {  	[smem:$0x3F9F] =	sst lr;
	_ =	strace $0xD0000000  }
0x3: {  	_ = 	snop  }
0x4: {  	_ = 	snop  }
0x5: {  	_ = 	snop  }
0x6: {  	_ = 	snop  }
0x7: {  	_ = 	snop  }
__scs_overlays_trampoline_lowered:
0x8: {  	[smem:$0x3FAE] =	sst s0  }
0x9: {  	[smem:$0x3FAF] =	sst s1  }
0xa: {  	[smem:$0x3FB0] =	sst s2  }
0xb: {  	[smem:$0x3FB1] =	sst s3  }
0xc: {  	[smem:$0x3FB2] =	sst s4  }
0xd: {  	[smem:$0x3FB3] =	sst s5  }
0xe: {  	[smem:$0x3FB4] =	sst s6  }
0xf: {  	[smem:$0x3FB5] =	sst s7  }
0x10: {  	[smem:$0x3FB6] =	sst s8  }
0x11: {  	[smem:$0x3FB7] =	sst s9;
	s0 =	simm.s32 @!p0 $0x0  }
0x12: {  	s1 =	sld [smem:$0x3F9D];
	s0 =	simm.s32 @p0 $0x1  }
0x13: {  	[smem:$0x3FB8] =	sst s0;
	s0 =	simm.s32 @!p1 $0x0  }
0x14: {  	s2 =	sld [smem:$0x3F9C];
	s0 =	simm.s32 @p1 $0x1  }
0x15: {  	[smem:$0x3FB9] =	sst s0;
	s0 =	simm.s32 @!p2 $0x0  }
0x16: {  	s3 =	sld [smem:$0x3FDB];
	s0 =	simm.s32 @p2 $0x1  }
0x17: {  	s4 =	simm.s32 $0x1BF5;
	[smem:$0x3FBB] =	sst s0  }
0x18: {  	s0 =	sld [smem:$0x3F9E];
	_ =	swait.ge [sflag:s4], $0x0  }
0x19: {  	s7 =	sld [smem:$0x3F9F]  }
0x1a: {  	s8 =	sadd.s32 $0xFFFFE003, lr  }
0x1b: {  	s9 =	sadd.s32 $0xFFFFFEF7, lr;
	s5 =	simm.s32 $0xFFFFFFFF;
	p2 =	slt.u32 s8, $0xFFFFF086  }
0x1c: {  	p1 =	slt.u32 s9, $0xF7A;
	s5 =	simm.s32 @!p2 $0x0  }
0x1d: {  	s5 =	simm.s32 @p1 $0x1;
	p0 =	seq.s32 s7, s2  }
0x1e: {  	s7 =	smul.u32 @!p0 $0xF7A, s2;
	p2 =	seq.s32 @!p0 s5, $0x0  }
0x1f: {  	s9 =	smul.u32 $0xF7A, s1;
	s8 =	simm.s32 @!p0 $0x1BF5;
	p2 =	por !p2, p0  }
0x20: {  	[sflag:s8] =	ssyncset.s32 @!p0 $0xFFFFF086;
	s6 =	sadd.s32 @!p0 s3, s7;
	s7 =	simm.s32 @!p0 $0x108  }
0x21: {  	s3 =	sadd.s32 s3, s9;
	s6 =	sadd.s32 @!p0 $0x88, s6;
	s7 =	simm.s32 @p2 $0x1082  }
0x22: {  	[simem:s7], [sflag:s8] =	dma.local @!p0 [hbm:s6], $0xF7A  }
0x23: {  	s9 =	sor.u32 $0xD0000000, s2;
	s6 =	simm.s32 $0x108;
	_ =	swait.ge @!p0 [sflag:s8], $0x0  }
0x24: {  	s3 =	sadd.s32 $0x88, s3;
	s6 =	simm.s32 @!p1 $0x1082;
	[sflag:s4] =	ssyncset.s32 $0xFFFFF086  }
0x25: {  	[simem:s6], [sflag:s4] =	dma.local [hbm:s3], $0xF7A  }
0x26: {  	[smem:$0x3F9F] =	sst s1;
	(tag) =	ssettag s2;
	_ =	strace s9  }
0x27: {  	s1 =	sld [smem:$0x3FAF]  }
0x28: {  	s2 =	sld [smem:$0x3FB0]  }
0x29: {  	s4 =	sld [smem:$0x3FB2]  }
0x2a: {  	p0 =	seq.s32 s5, $0x0;
	s5 =	sld [smem:$0x3FB3]  }
0x2b: {  	s6 =	sld [smem:$0x3FB4]  }
0x2c: {  	s7 =	sld [smem:$0x3FB5]  }
0x2d: {  	s3 =	simm.s32 $0x108;
	s8 =	sld [smem:$0x3FB6]  }
0x2e: {  	s3 =	simm.s32 @!p0 $0x1082;
	s9 =	sld [smem:$0x3FB7]  }
0x2f: {  	lr =	sadd.s32 s0, s3;
	s0 =	sld [smem:$0x3FAE]  }
0x30: {  	s3 =	sld [smem:$0x3FB1]  }
0x31: {  	[smem:$0x3FBA] =	sst s10  }
0x32: {  	s10 =	sld [smem:$0x3FB8];
	_ =	sdelay $0x3  }
0x33: {  	p0 =	seq.s32 s10, $0x1;
	s10 =	sld [smem:$0x3FBA];
	_ =	sdelay $0x3  }
0x34: {  	[smem:$0x3FBA] =	sst s10  }
0x35: {  	s10 =	sld [smem:$0x3FB9];
	_ =	sdelay $0x3  }
0x36: {  	p1 =	seq.s32 s10, $0x1;
	s10 =	sld [smem:$0x3FBA];
	_ =	sdelay $0x3  }
0x37: {  	[smem:$0x3FBA] =	sst s10  }
0x38: {  	s10 =	sld [smem:$0x3FBB]  }
0x39: {  	_ = 	snop;
	(pc) =	sbr.ind lr, $3  }
0x3a: {  	_ = 	snop  }
0x3b: {  	_ = 	snop  }
0x3c: {  	p2 =	seq.s32 s10, $0x1;
	s10 =	sld [smem:$0x3FBA]  }
0x3d: {  	_ =	shalt  }
0x3e: {  	_ =	shalt  }
0x3f: {  	_ =	shalt  }
0x40: {  	_ =	shalt  }
0x41: {  	_ =	shalt  }
0x42: {  	_ =	shalt  }
0x43: {  	_ =	shalt  }
0x44: {  	_ =	shalt  }
0x45: {  	_ =	shalt  }
0x46: {  	_ =	shalt  }
0x47: {  	_ =	shalt  }
0x48: {  	_ =	shalt  }
0x49: {  	_ =	shalt  }
0x4a: {  	_ =	shalt  }
0x4b: {  	_ =	shalt  }
0x4c: {  	_ =	shalt  }
0x4d: {  	_ =	shalt  }
0x4e: {  	_ =	shalt  }
0x4f: {  	_ =	shalt  }
0x50: {  	_ =	shalt  }
0x51: {  	_ =	shalt  }
0x52: {  	_ =	shalt  }
0x53: {  	_ =	shalt  }
0x54: {  	_ =	shalt  }
0x55: {  	_ =	shalt  }
0x56: {  	_ =	shalt  }
0x57: {  	_ =	shalt  }
0x58: {  	_ =	shalt  }
0x59: {  	_ =	shalt  }
0x5a: {  	_ =	shalt  }
0x5b: {  	_ =	shalt  }
0x5c: {  	_ =	shalt  }
0x5d: {  	_ =	shalt  }
0x5e: {  	_ =	shalt  }
0x5f: {  	_ =	shalt  }
0x60: {  	_ =	shalt  }
0x61: {  	_ =	shalt  }
0x62: {  	_ =	shalt  }
0x63: {  	_ =	shalt  }
0x64: {  	_ =	shalt  }
0x65: {  	_ =	shalt  }
0x66: {  	_ =	shalt  }
0x67: {  	_ =	shalt  }
0x68: {  	_ =	shalt  }
0x69: {  	_ =	shalt  }
0x6a: {  	_ =	shalt  }
0x6b: {  	_ =	shalt  }
0x6c: {  	_ =	shalt  }
0x6d: {  	_ =	shalt  }
0x6e: {  	_ =	shalt  }
0x6f: {  	_ =	shalt  }
0x70: {  	_ =	shalt  }
0x71: {  	_ =	shalt  }
0x72: {  	_ =	shalt  }
0x73: {  	_ =	shalt  }
0x74: {  	_ =	shalt  }
0x75: {  	_ =	shalt  }
0x76: {  	_ =	shalt  }
0x77: {  	_ =	shalt  }
0x78: {  	_ =	shalt  }
0x79: {  	_ =	shalt  }
0x7a: {  	_ =	shalt  }
0x7b: {  	_ =	shalt  }
0x7c: {  	_ =	shalt  }
0x7d: {  	_ =	shalt  }
0x7e: {  	_ =	shalt  }
0x7f: {  	_ =	shalt  }
0x80: {  	_ =	shalt  }
0x81: {  	_ =	shalt  }
0x82: {  	_ =	shalt  }
0x83: {  	_ =	shalt  }
0x84: {  	_ =	shalt  }
0x85: {  	_ =	shalt  }
0x86: {  	_ =	shalt  }
0x87: {  	_ =	shalt  }
.Lfunc_end0:
.L_simem_size_0:
called_computation_lowered:
.L_overlay_start_0:
0x88: {  	s2 =	sld [smem:$0x3FD9]  }
0x89: {  	s3 =	sld [smem:$0x3FFE];
	_ =	sdelay $0x1  }
0x8a: {  	s1 =	srdreg.scid  }
0x8b: {  	s0 =	sand.u32 $0x1, s1  }
0x8c: {  	s17 =	sshll.u32 s0, $0xA;
	s2 =	sadd.s32 s3, s2  }
0x8d: {  	s2 =	sadd.s32 s2, s17  }
0x8e: {  	[smem:$0x3FC6] =	sst s2  }
0x8f: {  	_ = 	snop  }
0x90: {  	s2 =	sld [smem:$0x3FD0];
	(tm) =	ssettm $0x1  }
0x91: {  	s18 =	sld [smem:$0x3FFB];
	_ =	sdelay $0x3  }
0x92: {  	_ =	strace s18  }
0x93: {  	s3 =	sld [smem:$0x3FFC];
	_ =	sdelay $0x3  }
0x94: {  	_ =	strace s3  }
0x95: {  	s3 =	sld [smem:$0x3FFD];
	_ =	sdelay $0x3  }
0x96: {  	_ =	strace s3  }
0x97: {  	_ =	strace $0x8FFFFFFF  }
0x98: {  	s19 =	sld [smem:$0x3FDB];
	_ =	sdelay $0x1  }
0x99: {  	s4 =	simm.s32 $_scs_section_size  }
0x9a: {  	s5 =	simm.s32 $_size__tile_overlayer_lowered;
	s6 =	simm.s32 $_tile_overlayer_lowered  }
0x9b: {  	s22 =	simm.s32 $0x1BFF;
	s21 =	sshll.u32 s6, $0x1;
	s3 =	sadd.s32 s4, s19  }
0x9c: {  	s7 =	simm.s32 $0x0;
	s20 =	sshll.u32 s5, $0x1;
	s5 =	sadd.s32 s21, s3  }
0x9d: {  	[timem:s7], [sflag:s22] =	dma.local [hbm:s5], s20  }
0x9e: {  	_ =	swait.ge [sflag:s22], s20  }
0x9f: {  	s4 =	ssub.s32 $0x0, s20;
	[sflag:s22] =	ssyncset.done $0x0  }
0xa0: {  	[sflag:s22] =	ssyncadd.s32 s4;
	_ =	sdelay $0x1  }
0xa1: {  	s23 =	simm.s32 $0x1B8B  }
0xa2: {  	_ =	swait.ge [sflag:s23], $0x1  }
0xa3: {  	[sflag:s23] =	ssyncset.done $0x0  }
0xa4: {  	s25 =	simm.s32 $0x1B8E;
	s24 =	sld [smem:$0x3FFE];
	[sflag:s23] =	ssyncadd.s32 $0xFFFFFFFF  }
0xa5: {  	s26 =	simm.s32 $execute0_lowered;
	[smem:$0x3FD2] =	sst s25  }
0xa6: {  	s5 =	sshll.u32 s26, $0x1;
	_ =	strace $0x80000046;
	[dreg:$0x1] =	wrdreg $0xFFFFFFFF  }
0xa7: {  	s28 =	simm.s32 $_size_execute0_lowered;
	s3 =	sadd.s32 s3, s5;
	[dreg:$0x0] =	wrdreg $0x0  }
0xa8: {  	s5 =	sshll.u32 s28, $0x1;
	[dreg:$0x2] =	wrdreg s3  }
0xa9: {  	[dreg:$0x3] =	wrdreg s5  }
0xaa: {  	[dreg:$0x4] =	wrdreg $0xC0  }
0xab: {  	_ =	task [dreg:s7], $0x5FFFF  }
0xac: {  	[dreg:$0x1] =	wrdreg $0xFFFFFFFF  }
0xad: {  	[dreg:$0x0] =	wrdreg $0x60  }
0xae: {  	[dreg:$0x2] =	wrdreg s24  }
0xaf: {  	[dreg:$0x3] =	wrdreg s2  }
0xb0: {  	[dreg:$0x4] =	wrdreg $0x9  }
0xb1: {  	_ =	task.clear_ibuf [dreg:s7], $0x5FFFF;
	_ =	strace $0x90000046  }
0xb2: {  	s29 =	simm.s32 $0x9;
	_ =	strace $0x80000048  }
0xb3: {  	_ =	swait.ge [sflag:s29], $0x1  }
0xb4: {  	[sflag:s29] =	ssyncadd.s32 $0xFFFFFFFF  }
0xb5: {  	_ =	strace $0x90000048  }
0xb6: {  	_ =	sfence  }
0xb7: {  	s30 =	sld [smem:$0x0];
	_ =	sdelay $0x2  }
0xb8: {  	s31 =	sshll.u32 s1, $0xD;
	s1 =	sshrl.u32 s1, $0x2  }
0xb9: {  	s3 =	sand.u32 $0x4000, s31;
	s1 =	sadd.s32 s1, s30  }
0xba: {  	s0 =	sor.u32 s3, s0;
	s1 =	sshll.u32 s1, $0x11  }
0xbb: {  	s0 =	sor.u32 s1, s0  }
0xbc: {  	s0 =	sadd.s32 $0x8F2B, s0  }
0xbd: {  	[sflag:s0] =	ssyncadd.remote.s32 $0x1  }
0xbe: {  	_ =	sfence.sel $0xFFFF  }
0xbf: {  	[dreg:$0x0] =	wrdreg $0xFFFFFFFF;
	(pc) =	sbr.abs _section_cstart, $3  }
0xc0: {  	[dreg:$0x1] =	wrdreg $0xFFFFFFFF  }
0xc1: {  	_ =	task.clear_ibuf [dreg:s7], $0x2FFFF;
	_ =	strace $0x9FFFFFFF  }
0xc2: {  	(tm) =	ssettm $0x7FFFFFFF  }
0xc3: {  	_ =	shalt  }
tec
execute0_lowered:
.L_overlay_start_1:
0x0: {  	(tag) =	ssettag $0x1  }
0x1: {  	s0 =	rddreg [dreg:$0x0]  }
0x2: {  	s1 =	rddreg [dreg:$0x1]  }
0x3: {  	s3 =	srdreg.scid;
	s5 =	stileid.u32  }
0x4: {  	s2 =	simm.s32 $0x0;
	s3 =	sand.u32 $0x1, s3;
	s4 =	sshll.u32 s5, $0x1  }
0x5: {  	s10 =	simm.s32 $0x2;
	s5 =	sshrl.u32 s5, $0x2;
	s4 =	sor.u32 s3, s4  }
0x6: {  	[smem:$0x7FF] =	sst s2;
	s7 =	sshll.u32 s5, $0xA;
	s6 =	sshll.u32 s4, $0x7  }
0x7: {  	s11 =	sadd.s32 $0x800, s0;
	s5 =	sshll.u32 s5, $0xB;
	s6 =	ssub.s32 s6, s7  }
0x8: {  	s0 =	sadd.s32 $0x400, s0;
	_ =	strace $0x80000047;
	s5 =	sadd.s32 s5, s6  }
0x9: {  	[dreg:$0x3] =	wrdreg s11;
	s6 =	sadd.s32 $0x400, s5;
	s5 =	sshrl.u32 s5, $0x3  }
0xa: {  	s4 =	sshll.u32 s4, $0xB;
	s6 =	sshrl.u32 s6, $0x3;
	s5 =	sadd.s32 s0, s5  }
0xb: {  	[dreg:$0x4] =	wrdreg s5;
	s0 =	sadd.s32 s0, s6;
	s6 =	sadd.s32 s1, s4  }
0xc: {  	s3 =	ssub.s32 $0x2, s3;
	[dreg:$0x5] =	wrdreg s0;
	s13 =	sadd.s32 $0x10000, s6  }
0xd: {  	s11 =	simm.s32 $0x2100;
	s14 =	sadd.s32 $0x20000, s6;
	[dreg:$0x6] =	wrdreg s13  }
0xe: {  	s12 =	sshrl.u32 s3, $0x1;
	s15 =	sadd.s32 $0x30000, s6;
	[dreg:$0x7] =	wrdreg s14  }
0xf: {  	s3 =	ssub.s32 s3, s12;
	s16 =	sadd.s32 $0x40000, s6;
	[dreg:$0x8] =	wrdreg s15  }
0x10: {  	s12 =	simm.s32 $0x4100;
	s17 =	sadd.s32 $0x50000, s6;
	[dreg:$0x9] =	wrdreg s16  }
0x11: {  	s18 =	sadd.s32 $0x60000, s6;
	s19 =	sadd.s32 $0x70000, s6;
	[dreg:$0xa] =	wrdreg s17  }
0x12: {  	s20 =	sadd.s32 $0x80000, s6;
	s21 =	sadd.s32 $0x90000, s6;
	[dreg:$0xb] =	wrdreg s18  }
0x13: {  	s22 =	sadd.s32 $0xA0000, s6;
	s23 =	sadd.s32 $0xB0000, s6;
	[dreg:$0xc] =	wrdreg s19  }
0x14: {  	s24 =	sadd.s32 $0xC0000, s6;
	s25 =	sadd.s32 $0xD0000, s6;
	[dreg:$0xd] =	wrdreg s20  }
0x15: {  	s26 =	sadd.s32 $0xE0000, s6;
	s28 =	sadd.s32 $0x40400, s6;
	[dreg:$0xe] =	wrdreg s21  }
0x16: {  	s29 =	sadd.s32 $0x50400, s6;
	s30 =	sadd.s32 $0x60400, s6;
	[dreg:$0xf] =	wrdreg s22  }
0x17: {  	s31 =	sadd.s32 $0x70400, s6;
	s0 =	sadd.s32 $0x80400, s6;
	[dreg:$0x10] =	wrdreg s23  }
0x18: {  	s1 =	sadd.s32 $0x90400, s6;
	s4 =	sadd.s32 $0xB0400, s6;
	[dreg:$0x11] =	wrdreg s24  }
0x19: {  	s5 =	sadd.s32 $0xC0400, s6;
	s7 =	sadd.s32 $0xD0400, s6;
	[dreg:$0x12] =	wrdreg s25  }
0x1a: {  	s8 =	sadd.s32 $0xE0400, s6;
	s9 =	sadd.s32 $0xF0400, s6;
	[dreg:$0x13] =	wrdreg s26  }
0x1b: {  	s21 =	sadd.s32 $0xF0000, s6;
	s22 =	sadd.s32 $0x400, s6;
	s23 =	sadd.s32 $0x10400, s6  }
0x1c: {  	s24 =	sadd.s32 $0x20400, s6;
	s25 =	smax.u32 s3, $0x1;
	s26 =	sadd.s32 $0x30400, s6  }
0x1d: {  	s3 =	sadd.s32 $0xA0400, s6;
	s13 =	simm.s32 $0x1;
	s14 =	simm.s32 $0x0  }
.LBB2_1:
0x1e: {  	s15 =	rddreg [dreg:$0x3]  }
0x1f: {  	[tilespmem:s2], [sflag:$0x2] =	stream.linear.gather [hbm4b:s15+s2], $0x2000, $0x38;
	[tilespmem:$0x6100] =	vst v63  }
0x20: {  	_ =	swait.ge [sflag:s10], $0x2000  }
0x21: {  	[sflag:s10] =	ssyncset.done $0x0  }
0x22: {  	s16 =	simm.s32 $0x2000;
	s20 =	rddreg [dreg:$0x4];
	[sflag:s10] =	ssyncadd.s32 $0xFFFFE000  }
0x23: {  	[tilespmem:s16], [sflag:$0x2] =	stream.linear.gather [hbm4b:s20+s2], $0x80, $0x38;
	[tilespmem:$0x6100] =	vst v63  }
0x24: {  	_ =	swait.ge [sflag:s10], $0x80  }
0x25: {  	[sflag:s10] =	ssyncset.done $0x0  }
0x26: {  	s17 =	simm.s32 $0x2080;
	s16 =	rddreg [dreg:$0x5];
	[sflag:s10] =	ssyncadd.s32 $0xFFFFFF80  }
0x27: {  	[tilespmem:s17], [sflag:$0x2] =	stream.linear.gather [hbm4b:s16+s2], $0x80, $0x38;
	[tilespmem:$0x6100] =	vst v63  }
0x28: {  	_ =	swait.ge [sflag:s10], $0x80  }
0x29: {  	[sflag:s10] =	ssyncset.done $0x0  }
0x2a: {  	[sflag:s10] =	ssyncadd.s32 $0xFFFFFF80  }
0x2b: {  	v5 =	vld [tilespmem:$0x2000]  }
0x2c: {  	v6 =	vld [tilespmem:$0x2010]  }
0x2d: {  	v7 =	vld [tilespmem:$0x2020]  }
0x2e: {  	v8 =	vld [tilespmem:$0x2030]  }
0x2f: {  	v9 =	vld [tilespmem:$0x2040]  }
0x30: {  	v0 =	vld [tilespmem:$0x2050]  }
0x31: {  	v1 =	vld [tilespmem:$0x2060]  }
0x32: {  	v2 =	vld [tilespmem:$0x2070]  }
0x33: {  	s18 =	simm.s32 $0x0;
	v3 =	vld [tilespmem:$0x2080]  }
0x34: {  	s15 =	sand.u32 $0x3FFFFC00, s18;
	v4 =	vld [tilespmem:$0x2090]  }
0x35: {  	s19 =	sadd.s32 $0x0, s15;
	v10 =	vld [tilespmem:$0x20A0]  }
0x36: {  	s20 =	simm.s32 $0x0;
	v16 =	vld [tilespmem:s19+$0x0]  }
0x37: {  	s15 =	smul.u32 $0x3000, s20;
	v11 =	vld [tilespmem:$0x20B0]  }
0x38: {  	v12 =	vld [tilespmem:$0x20C0]  }
0x39: {  	s15 =	sshra.s32 s15, $0x2;
	v13 =	vld [tilespmem:$0x20D0]  }
0x3a: {  	s15 =	sadd.s32 $0x0, s15;
	v14 =	vld [tilespmem:$0x20E0]  }
0x3b: {  	v15 =	vld [tilespmem:$0x20F0];
	[tilespmem:s15+$0x2100] =	vst v16  }
0x3c: {  	v16 =	vld [tilespmem:s19+$0x10];
	_ =	sdelay $0x4  }
0x3d: {  	[tilespmem:s15+$0x2110] =	vst v16  }
0x3e: {  	v16 =	vld [tilespmem:s19+$0x20];
	_ =	sdelay $0x4  }
0x3f: {  	[tilespmem:s15+$0x2120] =	vst v16  }
0x40: {  	v16 =	vld [tilespmem:s19+$0x30];
	_ =	sdelay $0x4  }
0x41: {  	[tilespmem:s15+$0x2130] =	vst v16  }
0x42: {  	v16 =	vld [tilespmem:s19+$0x40];
	_ =	sdelay $0x4  }
0x43: {  	[tilespmem:s15+$0x2140] =	vst v16  }
0x44: {  	v16 =	vld [tilespmem:s19+$0x50];
	_ =	sdelay $0x4  }
0x45: {  	[tilespmem:s15+$0x2150] =	vst v16  }
0x46: {  	v16 =	vld [tilespmem:s19+$0x60];
	_ =	sdelay $0x4  }
0x47: {  	[tilespmem:s15+$0x2160] =	vst v16  }
0x48: {  	v16 =	vld [tilespmem:s19+$0x70];
	_ =	sdelay $0x4  }
0x49: {  	[tilespmem:s15+$0x2170] =	vst v16  }
0x4a: {  	v16 =	vld [tilespmem:s19+$0x400];
	_ =	sdelay $0x4  }
0x4b: {  	[tilespmem:s15+$0x2500] =	vst v16  }
0x4c: {  	v16 =	vld [tilespmem:s19+$0x410];
	_ =	sdelay $0x4  }
0x4d: {  	[tilespmem:s15+$0x2510] =	vst v16  }
0x4e: {  	v16 =	vld [tilespmem:s19+$0x420];
	_ =	sdelay $0x4  }
0x4f: {  	[tilespmem:s15+$0x2520] =	vst v16  }
0x50: {  	v16 =	vld [tilespmem:s19+$0x430];
	_ =	sdelay $0x4  }
0x51: {  	[tilespmem:s15+$0x2530] =	vst v16  }
0x52: {  	v16 =	vld [tilespmem:s19+$0x440];
	_ =	sdelay $0x4  }
0x53: {  	[tilespmem:s15+$0x2540] =	vst v16  }
0x54: {  	v16 =	vld [tilespmem:s19+$0x450];
	_ =	sdelay $0x4  }
0x55: {  	[tilespmem:s15+$0x2550] =	vst v16  }
0x56: {  	v16 =	vld [tilespmem:s19+$0x460];
	_ =	sdelay $0x4  }
0x57: {  	[tilespmem:s15+$0x2560] =	vst v16  }
0x58: {  	v16 =	vld [tilespmem:s19+$0x470];
	[tilespmem:s15+$0x2900] =	vst v5  }
0x59: {  	[tilespmem:s15+$0x2910] =	vst v6  }
0x5a: {  	[tilespmem:s15+$0x2920] =	vst v7  }
0x5b: {  	[tilespmem:s15+$0x2930] =	vst v8  }
0x5c: {  	[tilespmem:s15+$0x2940] =	vst v9  }
0x5d: {  	[tilespmem:s15+$0x2950] =	vst v0  }
0x5e: {  	[tilespmem:s15+$0x2960] =	vst v1  }
0x5f: {  	[tilespmem:s15+$0x2970] =	vst v2  }
0x60: {  	[tilespmem:s15+$0x2D00] =	vst v3  }
0x61: {  	[tilespmem:s15+$0x2D10] =	vst v4  }
0x62: {  	[tilespmem:s15+$0x2D20] =	vst v10  }
0x63: {  	[tilespmem:s15+$0x2D30] =	vst v11  }
0x64: {  	[tilespmem:s15+$0x2D40] =	vst v12  }
0x65: {  	s18 =	simm.s32 $0x200;
	[tilespmem:s15+$0x2D50] =	vst v13  }
0x66: {  	s16 =	simm.s32 $0x1;
	s17 =	simm.s32 $0x400;
	s19 =	simm.s32 $0x80;
	[tilespmem:s15+$0x2570] =	vst v16  }
.LBB2_2:
0x67: {  	p0 =	sne.s32 s17, $0x1E00;
	s20 =	sshra.s32 s18, $0x2;
	s18 =	sand.u32 $0x3FFFFC00, s19;
	[tilespmem:s15+$0x2D60] =	vst v14  }
0x68: {  	s19 =	sadd.s32 s20, s18;
	[tilespmem:s15+$0x2D70] =	vst v15;
	s18 =	smov.u32 s17  }
0x69: {  	s15 =	sshrl.u32 s16, $0x3;
	v16 =	vld [tilespmem:s19+$0x0]  }
0x6a: {  	s15 =	smul.u32 $0x3000, s15;
	_ =	sdelay $0x1  }
0x6b: {  	s15 =	sshra.s32 s15, $0x2  }
0x6c: {  	s15 =	sadd.s32 s20, s15  }
0x6d: {  	[tilespmem:s15+$0x2100] =	vst v16  }
0x6e: {  	v16 =	vld [tilespmem:s19+$0x10];
	_ =	sdelay $0x4  }
0x6f: {  	[tilespmem:s15+$0x2110] =	vst v16  }
0x70: {  	v16 =	vld [tilespmem:s19+$0x20];
	_ =	sdelay $0x4  }
0x71: {  	[tilespmem:s15+$0x2120] =	vst v16  }
0x72: {  	v16 =	vld [tilespmem:s19+$0x30];
	_ =	sdelay $0x4  }
0x73: {  	[tilespmem:s15+$0x2130] =	vst v16  }
0x74: {  	v16 =	vld [tilespmem:s19+$0x40];
	_ =	sdelay $0x4  }
0x75: {  	[tilespmem:s15+$0x2140] =	vst v16  }
0x76: {  	v16 =	vld [tilespmem:s19+$0x50];
	_ =	sdelay $0x4  }
0x77: {  	[tilespmem:s15+$0x2150] =	vst v16  }
0x78: {  	v16 =	vld [tilespmem:s19+$0x60];
	_ =	sdelay $0x4  }
0x79: {  	[tilespmem:s15+$0x2160] =	vst v16  }
0x7a: {  	v16 =	vld [tilespmem:s19+$0x70];
	_ =	sdelay $0x4  }
0x7b: {  	[tilespmem:s15+$0x2170] =	vst v16  }
0x7c: {  	v16 =	vld [tilespmem:s19+$0x400];
	_ =	sdelay $0x4  }
0x7d: {  	[tilespmem:s15+$0x2500] =	vst v16  }
0x7e: {  	v16 =	vld [tilespmem:s19+$0x410];
	_ =	sdelay $0x4  }
0x7f: {  	[tilespmem:s15+$0x2510] =	vst v16  }
0x80: {  	v16 =	vld [tilespmem:s19+$0x420];
	_ =	sdelay $0x4  }
0x81: {  	[tilespmem:s15+$0x2520] =	vst v16  }
0x82: {  	v16 =	vld [tilespmem:s19+$0x430];
	_ =	sdelay $0x4  }
0x83: {  	[tilespmem:s15+$0x2530] =	vst v16  }
0x84: {  	v16 =	vld [tilespmem:s19+$0x440];
	_ =	sdelay $0x4  }
0x85: {  	[tilespmem:s15+$0x2540] =	vst v16  }
0x86: {  	v16 =	vld [tilespmem:s19+$0x450];
	_ =	sdelay $0x4  }
0x87: {  	[tilespmem:s15+$0x2550] =	vst v16  }
0x88: {  	v16 =	vld [tilespmem:s19+$0x460];
	_ =	sdelay $0x4  }
0x89: {  	[tilespmem:s15+$0x2560] =	vst v16  }
0x8a: {  	v16 =	vld [tilespmem:s19+$0x470];
	[tilespmem:s15+$0x2900] =	vst v5  }
0x8b: {  	[tilespmem:s15+$0x2910] =	vst v6  }
0x8c: {  	[tilespmem:s15+$0x2920] =	vst v7  }
0x8d: {  	[tilespmem:s15+$0x2930] =	vst v8  }
0x8e: {  	[tilespmem:s15+$0x2940] =	vst v9  }
0x8f: {  	[tilespmem:s15+$0x2570] =	vst v16  }
0x90: {  	[tilespmem:s15+$0x2950] =	vst v0  }
0x91: {  	[tilespmem:s15+$0x2960] =	vst v1  }
0x92: {  	[tilespmem:s15+$0x2970] =	vst v2  }
0x93: {  	[tilespmem:s15+$0x2D00] =	vst v3  }
.Ltmp0:
0x94: {  	[tilespmem:s15+$0x2D10] =	vst v4;
	(pc) =	sbr.rel @p0 .LBB2_2-.Ltmp0, $4  }
0x95: {  	[tilespmem:s15+$0x2D20] =	vst v10  }
0x96: {  	[tilespmem:s15+$0x2D30] =	vst v11  }
0x97: {  	s16 =	sadd.s32 $0x1, s16;
	[tilespmem:s15+$0x2D40] =	vst v12  }
0x98: {  	s17 =	sadd.s32 $0x200, s17;
	s19 =	sshll.u32 s16, $0x7;
	[tilespmem:s15+$0x2D50] =	vst v13  }
0x99: {  	s17 =	sshra.s32 s18, $0x2;
	s20 =	sand.u32 $0x3FFFFC00, s19;
	[tilespmem:s15+$0x2D60] =	vst v14  }
0x9a: {  	[tilespmem:s15+$0x2D70] =	vst v15;
	s18 =	sadd.s32 s17, s20  }
0x9b: {  	s19 =	sshrl.u32 s16, $0x3;
	v16 =	vld [tilespmem:s18+$0x0]  }
0x9c: {  	s15 =	smul.u32 $0x3000, s19;
	_ =	sdelay $0x1  }
0x9d: {  	s15 =	sshra.s32 s15, $0x2  }
0x9e: {  	s15 =	sadd.s32 s17, s15  }
0x9f: {  	[tilespmem:s15+$0x2100] =	vst v16  }
0xa0: {  	v16 =	vld [tilespmem:s18+$0x10];
	_ =	sdelay $0x4  }
0xa1: {  	[tilespmem:s15+$0x2110] =	vst v16  }
0xa2: {  	v16 =	vld [tilespmem:s18+$0x20];
	_ =	sdelay $0x4  }
0xa3: {  	[tilespmem:s15+$0x2120] =	vst v16  }
0xa4: {  	v16 =	vld [tilespmem:s18+$0x30];
	_ =	sdelay $0x4  }
0xa5: {  	[tilespmem:s15+$0x2130] =	vst v16  }
0xa6: {  	v16 =	vld [tilespmem:s18+$0x40];
	_ =	sdelay $0x4  }
0xa7: {  	[tilespmem:s15+$0x2140] =	vst v16  }
0xa8: {  	v16 =	vld [tilespmem:s18+$0x50];
	_ =	sdelay $0x4  }
0xa9: {  	[tilespmem:s15+$0x2150] =	vst v16  }
0xaa: {  	v16 =	vld [tilespmem:s18+$0x60];
	_ =	sdelay $0x4  }
0xab: {  	[tilespmem:s15+$0x2160] =	vst v16  }
0xac: {  	v16 =	vld [tilespmem:s18+$0x70];
	_ =	sdelay $0x4  }
0xad: {  	[tilespmem:s15+$0x2170] =	vst v16  }
0xae: {  	v16 =	vld [tilespmem:s18+$0x400];
	_ =	sdelay $0x4  }
0xaf: {  	[tilespmem:s15+$0x2500] =	vst v16  }
0xb0: {  	v16 =	vld [tilespmem:s18+$0x410];
	_ =	sdelay $0x4  }
0xb1: {  	[tilespmem:s15+$0x2510] =	vst v16  }
0xb2: {  	v16 =	vld [tilespmem:s18+$0x420];
	_ =	sdelay $0x4  }
0xb3: {  	[tilespmem:s15+$0x2520] =	vst v16  }
0xb4: {  	v16 =	vld [tilespmem:s18+$0x430];
	_ =	sdelay $0x4  }
0xb5: {  	[tilespmem:s15+$0x2530] =	vst v16  }
0xb6: {  	v16 =	vld [tilespmem:s18+$0x440];
	_ =	sdelay $0x4  }
0xb7: {  	[tilespmem:s15+$0x2540] =	vst v16  }
0xb8: {  	v16 =	vld [tilespmem:s18+$0x450];
	_ =	sdelay $0x4  }
0xb9: {  	[tilespmem:s15+$0x2550] =	vst v16  }
0xba: {  	v16 =	vld [tilespmem:s18+$0x460];
	_ =	sdelay $0x4  }
0xbb: {  	[tilespmem:s15+$0x2560] =	vst v16  }
0xbc: {  	v16 =	vld [tilespmem:s18+$0x470];
	[tilespmem:s15+$0x2900] =	vst v5  }
0xbd: {  	[tilespmem:s15+$0x2910] =	vst v6  }
0xbe: {  	[tilespmem:s15+$0x2920] =	vst v7  }
0xbf: {  	[tilespmem:s15+$0x2930] =	vst v8  }
0xc0: {  	[tilespmem:s15+$0x2940] =	vst v9  }
0xc1: {  	[tilespmem:s15+$0x2950] =	vst v0  }
0xc2: {  	[tilespmem:s15+$0x2960] =	vst v1  }
0xc3: {  	[tilespmem:s15+$0x2970] =	vst v2  }
0xc4: {  	[tilespmem:s15+$0x2D00] =	vst v3  }
0xc5: {  	[tilespmem:s15+$0x2D10] =	vst v4  }
0xc6: {  	[tilespmem:s15+$0x2D20] =	vst v10  }
0xc7: {  	[tilespmem:s15+$0x2D30] =	vst v11  }
0xc8: {  	[tilespmem:s15+$0x2D40] =	vst v12  }
0xc9: {  	[tilespmem:s15+$0x2D50] =	vst v13  }
0xca: {  	[tilespmem:s15+$0x2D60] =	vst v14  }
0xcb: {  	[tilespmem:s15+$0x2D70] =	vst v15  }
0xcc: {  	[tilespmem:s15+$0x2570] =	vst v16;
	s15 =	simm.s32 $0x0  }
0xcd: {  	[hbm4b:s6+s15] =	stream.linear.scatter [tilespmem:s11], [sflag:$0x1], $0x2000, $0x38;
	[tilespmem:$0x6100] =	vst v63  }
0xce: {  	s20 =	rddreg [dreg:$0x6]  }
0xcf: {  	[hbm4b:s20+s15] =	stream.linear.scatter [tilespmem:s11], [sflag:$0x1], $0x2000, $0x38;
	[tilespmem:$0x6100] =	vst v63  }
0xd0: {  	s17 =	rddreg [dreg:$0x7]  }
0xd1: {  	[hbm4b:s17+s15] =	stream.linear.scatter [tilespmem:s11], [sflag:$0x1], $0x2000, $0x38;
	[tilespmem:$0x6100] =	vst v63  }
0xd2: {  	s18 =	rddreg [dreg:$0x8]  }
0xd3: {  	[hbm4b:s18+s15] =	stream.linear.scatter [tilespmem:s11], [sflag:$0x1], $0x2000, $0x38;
	[tilespmem:$0x6100] =	vst v63  }
0xd4: {  	s19 =	rddreg [dreg:$0x9]  }
0xd5: {  	[hbm4b:s19+s15] =	stream.linear.scatter [tilespmem:s11], [sflag:$0x1], $0x2000, $0x38;
	[tilespmem:$0x6100] =	vst v63  }
0xd6: {  	s20 =	rddreg [dreg:$0xa]  }
0xd7: {  	[hbm4b:s20+s15] =	stream.linear.scatter [tilespmem:s11], [sflag:$0x1], $0x2000, $0x38;
	[tilespmem:$0x6100] =	vst v63  }
0xd8: {  	s17 =	rddreg [dreg:$0xb]  }
0xd9: {  	[hbm4b:s17+s15] =	stream.linear.scatter [tilespmem:s11], [sflag:$0x1], $0x2000, $0x38;
	[tilespmem:$0x6100] =	vst v63  }
0xda: {  	s18 =	rddreg [dreg:$0xc]  }
0xdb: {  	[hbm4b:s18+s15] =	stream.linear.scatter [tilespmem:s11], [sflag:$0x1], $0x2000, $0x38;
	[tilespmem:$0x6100] =	vst v63  }
0xdc: {  	s19 =	rddreg [dreg:$0xd]  }
0xdd: {  	[hbm4b:s19+s15] =	stream.linear.scatter [tilespmem:s11], [sflag:$0x1], $0x2000, $0x38;
	[tilespmem:$0x6100] =	vst v63  }
0xde: {  	s20 =	rddreg [dreg:$0xe]  }
0xdf: {  	[hbm4b:s20+s15] =	stream.linear.scatter [tilespmem:s11], [sflag:$0x1], $0x2000, $0x38;
	[tilespmem:$0x6100] =	vst v63  }
0xe0: {  	s17 =	rddreg [dreg:$0xf]  }
0xe1: {  	[hbm4b:s17+s15] =	stream.linear.scatter [tilespmem:s11], [sflag:$0x1], $0x2000, $0x38;
	[tilespmem:$0x6100] =	vst v63  }
0xe2: {  	s18 =	rddreg [dreg:$0x10]  }
0xe3: {  	[hbm4b:s18+s15] =	stream.linear.scatter [tilespmem:s11], [sflag:$0x1], $0x2000, $0x38;
	[tilespmem:$0x6100] =	vst v63  }
0xe4: {  	s19 =	rddreg [dreg:$0x11]  }
0xe5: {  	[hbm4b:s19+s15] =	stream.linear.scatter [tilespmem:s11], [sflag:$0x1], $0x2000, $0x38;
	[tilespmem:$0x6100] =	vst v63  }
0xe6: {  	s20 =	rddreg [dreg:$0x12]  }
0xe7: {  	[hbm4b:s20+s15] =	stream.linear.scatter [tilespmem:s11], [sflag:$0x1], $0x2000, $0x38;
	[tilespmem:$0x6100] =	vst v63  }
0xe8: {  	s17 =	rddreg [dreg:$0x13]  }
0xe9: {  	[hbm4b:s17+s15] =	stream.linear.scatter [tilespmem:s11], [sflag:$0x1], $0x2000, $0x38;
	[tilespmem:$0x6100] =	vst v63  }
0xea: {  	s18 =	simm.s32 $0x800  }
0xeb: {  	[hbm4b:s21+s15] =	stream.linear.scatter [tilespmem:s11], [sflag:$0x1], $0x2000, $0x38;
	[tilespmem:$0x6100] =	vst v63  }
0xec: {  	s15 =	sand.u32 $0x3FFFFC00, s18  }
0xed: {  	s19 =	sadd.s32 $0x0, s15  }
0xee: {  	s20 =	simm.s32 $0x2;
	v16 =	vld [tilespmem:s19+$0x800]  }
0xef: {  	s15 =	smul.u32 $0x3000, s20;
	_ =	sdelay $0x1  }
0xf0: {  	s15 =	sshra.s32 s15, $0x2  }
0xf1: {  	s15 =	sadd.s32 $0x0, s15  }
0xf2: {  	[tilespmem:s15+$0x2900] =	vst v16  }
0xf3: {  	v16 =	vld [tilespmem:s19+$0x810];
	_ =	sdelay $0x4  }
0xf4: {  	[tilespmem:s15+$0x2910] =	vst v16  }
0xf5: {  	v16 =	vld [tilespmem:s19+$0x820];
	_ =	sdelay $0x4  }
0xf6: {  	[tilespmem:s15+$0x2920] =	vst v16  }
0xf7: {  	v16 =	vld [tilespmem:s19+$0x830];
	_ =	sdelay $0x4  }
0xf8: {  	[tilespmem:s15+$0x2930] =	vst v16  }
0xf9: {  	v16 =	vld [tilespmem:s19+$0x840];
	_ =	sdelay $0x4  }
0xfa: {  	[tilespmem:s15+$0x2940] =	vst v16  }
0xfb: {  	v16 =	vld [tilespmem:s19+$0x850];
	_ =	sdelay $0x4  }
0xfc: {  	[tilespmem:s15+$0x2950] =	vst v16  }
0xfd: {  	v16 =	vld [tilespmem:s19+$0x860];
	_ =	sdelay $0x4  }
0xfe: {  	[tilespmem:s15+$0x2960] =	vst v16  }
0xff: {  	v16 =	vld [tilespmem:s19+$0x870];
	_ =	sdelay $0x4  }
0x100: {  	[tilespmem:s15+$0x2970] =	vst v16  }
0x101: {  	v16 =	vld [tilespmem:s19+$0xC00];
	_ =	sdelay $0x4  }
0x102: {  	[tilespmem:s15+$0x2D00] =	vst v16  }
0x103: {  	v16 =	vld [tilespmem:s19+$0xC10];
	_ =	sdelay $0x4  }
0x104: {  	[tilespmem:s15+$0x2D10] =	vst v16  }
0x105: {  	v16 =	vld [tilespmem:s19+$0xC20];
	_ =	sdelay $0x4  }
0x106: {  	[tilespmem:s15+$0x2D20] =	vst v16  }
0x107: {  	v16 =	vld [tilespmem:s19+$0xC30];
	_ =	sdelay $0x4  }
0x108: {  	[tilespmem:s15+$0x2D30] =	vst v16  }
0x109: {  	v16 =	vld [tilespmem:s19+$0xC40];
	_ =	sdelay $0x4  }
0x10a: {  	[tilespmem:s15+$0x2D40] =	vst v16  }
0x10b: {  	v16 =	vld [tilespmem:s19+$0xC50];
	_ =	sdelay $0x4  }
0x10c: {  	[tilespmem:s15+$0x2D50] =	vst v16  }
0x10d: {  	v16 =	vld [tilespmem:s19+$0xC60];
	_ =	sdelay $0x4  }
0x10e: {  	[tilespmem:s15+$0x2D60] =	vst v16  }
0x10f: {  	v16 =	vld [tilespmem:s19+$0xC70];
	[tilespmem:s15+$0x3100] =	vst v5  }
0x110: {  	[tilespmem:s15+$0x3110] =	vst v6  }
0x111: {  	[tilespmem:s15+$0x3120] =	vst v7  }
0x112: {  	[tilespmem:s15+$0x3130] =	vst v8  }
0x113: {  	[tilespmem:s15+$0x3140] =	vst v9  }
0x114: {  	[tilespmem:s15+$0x3150] =	vst v0  }
0x115: {  	[tilespmem:s15+$0x3160] =	vst v1  }
0x116: {  	[tilespmem:s15+$0x3170] =	vst v2  }
0x117: {  	[tilespmem:s15+$0x3500] =	vst v3  }
0x118: {  	[tilespmem:s15+$0x3510] =	vst v4  }
0x119: {  	[tilespmem:s15+$0x3520] =	vst v10  }
0x11a: {  	[tilespmem:s15+$0x3530] =	vst v11  }
0x11b: {  	[tilespmem:s15+$0x3540] =	vst v12  }
0x11c: {  	s16 =	simm.s32 $0x11;
	[tilespmem:s15+$0x3550] =	vst v13  }
0x11d: {  	s17 =	simm.s32 $0x400;
	s18 =	simm.s32 $0x200;
	s19 =	simm.s32 $0x880;
	[tilespmem:s15+$0x2D70] =	vst v16  }
.LBB2_4:
0x11e: {  	p0 =	sne.s32 s17, $0x1E00;
	s20 =	sshra.s32 s18, $0x2;
	s18 =	sand.u32 $0x3FFFFC00, s19;
	[tilespmem:s15+$0x3560] =	vst v14  }
0x11f: {  	s19 =	sadd.s32 s20, s18;
	[tilespmem:s15+$0x3570] =	vst v15;
	s18 =	smov.u32 s17  }
0x120: {  	s15 =	sshrl.u32 s16, $0x3;
	v16 =	vld [tilespmem:s19+$0x800]  }
0x121: {  	s15 =	smul.u32 $0x3000, s15;
	_ =	sdelay $0x1  }
0x122: {  	s15 =	sshra.s32 s15, $0x2  }
0x123: {  	s15 =	sadd.s32 s20, s15  }
0x124: {  	[tilespmem:s15+$0x2900] =	vst v16  }
0x125: {  	v16 =	vld [tilespmem:s19+$0x810];
	_ =	sdelay $0x4  }
0x126: {  	[tilespmem:s15+$0x2910] =	vst v16  }
0x127: {  	v16 =	vld [tilespmem:s19+$0x820];
	_ =	sdelay $0x4  }
0x128: {  	[tilespmem:s15+$0x2920] =	vst v16  }
0x129: {  	v16 =	vld [tilespmem:s19+$0x830];
	_ =	sdelay $0x4  }
0x12a: {  	[tilespmem:s15+$0x2930] =	vst v16  }
0x12b: {  	v16 =	vld [tilespmem:s19+$0x840];
	_ =	sdelay $0x4  }
0x12c: {  	[tilespmem:s15+$0x2940] =	vst v16  }
0x12d: {  	v16 =	vld [tilespmem:s19+$0x850];
	_ =	sdelay $0x4  }
0x12e: {  	[tilespmem:s15+$0x2950] =	vst v16  }
0x12f: {  	v16 =	vld [tilespmem:s19+$0x860];
	_ =	sdelay $0x4  }
0x130: {  	[tilespmem:s15+$0x2960] =	vst v16  }
0x131: {  	v16 =	vld [tilespmem:s19+$0x870];
	_ =	sdelay $0x4  }
0x132: {  	[tilespmem:s15+$0x2970] =	vst v16  }
0x133: {  	v16 =	vld [tilespmem:s19+$0xC00];
	_ =	sdelay $0x4  }
0x134: {  	[tilespmem:s15+$0x2D00] =	vst v16  }
0x135: {  	v16 =	vld [tilespmem:s19+$0xC10];
	_ =	sdelay $0x4  }
0x136: {  	[tilespmem:s15+$0x2D10] =	vst v16  }
0x137: {  	v16 =	vld [tilespmem:s19+$0xC20];
	_ =	sdelay $0x4  }
0x138: {  	[tilespmem:s15+$0x2D20] =	vst v16  }
0x139: {  	v16 =	vld [tilespmem:s19+$0xC30];
	_ =	sdelay $0x4  }
0x13a: {  	[tilespmem:s15+$0x2D30] =	vst v16  }
0x13b: {  	v16 =	vld [tilespmem:s19+$0xC40];
	_ =	sdelay $0x4  }
0x13c: {  	[tilespmem:s15+$0x2D40] =	vst v16  }
0x13d: {  	v16 =	vld [tilespmem:s19+$0xC50];
	_ =	sdelay $0x4  }
0x13e: {  	[tilespmem:s15+$0x2D50] =	vst v16  }
0x13f: {  	v16 =	vld [tilespmem:s19+$0xC60];
	_ =	sdelay $0x4  }
0x140: {  	[tilespmem:s15+$0x2D60] =	vst v16  }
0x141: {  	v16 =	vld [tilespmem:s19+$0xC70];
	[tilespmem:s15+$0x3100] =	vst v5  }
0x142: {  	[tilespmem:s15+$0x3110] =	vst v6  }
0x143: {  	[tilespmem:s15+$0x3120] =	vst v7  }
0x144: {  	[tilespmem:s15+$0x3130] =	vst v8  }
0x145: {  	[tilespmem:s15+$0x3140] =	vst v9  }
0x146: {  	[tilespmem:s15+$0x2D70] =	vst v16  }
0x147: {  	[tilespmem:s15+$0x3150] =	vst v0  }
0x148: {  	[tilespmem:s15+$0x3160] =	vst v1  }
0x149: {  	[tilespmem:s15+$0x3170] =	vst v2  }
0x14a: {  	[tilespmem:s15+$0x3500] =	vst v3  }
.Ltmp1:
0x14b: {  	[tilespmem:s15+$0x3510] =	vst v4;
	(pc) =	sbr.rel @p0 .LBB2_4-.Ltmp1, $4  }
0x14c: {  	[tilespmem:s15+$0x3520] =	vst v10  }
0x14d: {  	[tilespmem:s15+$0x3530] =	vst v11  }
0x14e: {  	s16 =	sadd.s32 $0x1, s16;
	[tilespmem:s15+$0x3540] =	vst v12  }
0x14f: {  	s17 =	sadd.s32 $0x200, s17;
	s19 =	sshll.u32 s16, $0x7;
	[tilespmem:s15+$0x3550] =	vst v13  }
0x150: {  	s17 =	sshra.s32 s18, $0x2;
	s19 =	sand.u32 $0x3FFFFC00, s19;
	[tilespmem:s15+$0x3560] =	vst v14  }
0x151: {  	[tilespmem:s15+$0x3570] =	vst v15;
	s18 =	sadd.s32 s17, s19  }
0x152: {  	s20 =	sshrl.u32 s16, $0x3;
	v16 =	vld [tilespmem:s18+$0x800]  }
0x153: {  	s15 =	smul.u32 $0x3000, s20;
	_ =	sdelay $0x1  }
0x154: {  	s15 =	sshra.s32 s15, $0x2  }
0x155: {  	s15 =	sadd.s32 s17, s15  }
0x156: {  	[tilespmem:s15+$0x2900] =	vst v16  }
0x157: {  	v16 =	vld [tilespmem:s18+$0x810];
	_ =	sdelay $0x4  }
0x158: {  	[tilespmem:s15+$0x2910] =	vst v16  }
0x159: {  	v16 =	vld [tilespmem:s18+$0x820];
	_ =	sdelay $0x4  }
0x15a: {  	[tilespmem:s15+$0x2920] =	vst v16  }
0x15b: {  	v16 =	vld [tilespmem:s18+$0x830];
	_ =	sdelay $0x4  }
0x15c: {  	[tilespmem:s15+$0x2930] =	vst v16  }
0x15d: {  	v16 =	vld [tilespmem:s18+$0x840];
	_ =	sdelay $0x4  }
0x15e: {  	[tilespmem:s15+$0x2940] =	vst v16  }
0x15f: {  	v16 =	vld [tilespmem:s18+$0x850];
	_ =	sdelay $0x4  }
0x160: {  	[tilespmem:s15+$0x2950] =	vst v16  }
0x161: {  	v16 =	vld [tilespmem:s18+$0x860];
	_ =	sdelay $0x4  }
0x162: {  	[tilespmem:s15+$0x2960] =	vst v16  }
0x163: {  	v16 =	vld [tilespmem:s18+$0x870];
	_ =	sdelay $0x4  }
0x164: {  	[tilespmem:s15+$0x2970] =	vst v16  }
0x165: {  	v16 =	vld [tilespmem:s18+$0xC00];
	_ =	sdelay $0x4  }
0x166: {  	[tilespmem:s15+$0x2D00] =	vst v16  }
0x167: {  	v16 =	vld [tilespmem:s18+$0xC10];
	_ =	sdelay $0x4  }
0x168: {  	[tilespmem:s15+$0x2D10] =	vst v16  }
0x169: {  	v16 =	vld [tilespmem:s18+$0xC20];
	_ =	sdelay $0x4  }
0x16a: {  	[tilespmem:s15+$0x2D20] =	vst v16  }
0x16b: {  	v16 =	vld [tilespmem:s18+$0xC30];
	_ =	sdelay $0x4  }
0x16c: {  	[tilespmem:s15+$0x2D30] =	vst v16  }
0x16d: {  	v16 =	vld [tilespmem:s18+$0xC40];
	_ =	sdelay $0x4  }
0x16e: {  	[tilespmem:s15+$0x2D40] =	vst v16  }
0x16f: {  	v16 =	vld [tilespmem:s18+$0xC50];
	_ =	sdelay $0x4  }
0x170: {  	[tilespmem:s15+$0x2D50] =	vst v16  }
0x171: {  	v16 =	vld [tilespmem:s18+$0xC60];
	_ =	sdelay $0x4  }
0x172: {  	[tilespmem:s15+$0x2D60] =	vst v16  }
0x173: {  	v16 =	vld [tilespmem:s18+$0xC70];
	[tilespmem:s15+$0x3100] =	vst v5  }
0x174: {  	[tilespmem:s15+$0x3110] =	vst v6  }
0x175: {  	[tilespmem:s15+$0x3120] =	vst v7  }
0x176: {  	[tilespmem:s15+$0x3130] =	vst v8  }
0x177: {  	[tilespmem:s15+$0x3140] =	vst v9  }
0x178: {  	[tilespmem:s15+$0x3150] =	vst v0  }
0x179: {  	[tilespmem:s15+$0x3160] =	vst v1  }
0x17a: {  	[tilespmem:s15+$0x3170] =	vst v2  }
0x17b: {  	[tilespmem:s15+$0x3500] =	vst v3  }
0x17c: {  	[tilespmem:s15+$0x3510] =	vst v4  }
0x17d: {  	[tilespmem:s15+$0x3520] =	vst v10  }
0x17e: {  	[tilespmem:s15+$0x3530] =	vst v11  }
0x17f: {  	[tilespmem:s15+$0x3540] =	vst v12  }
0x180: {  	[tilespmem:s15+$0x3550] =	vst v13  }
0x181: {  	[tilespmem:s15+$0x3560] =	vst v14  }
0x182: {  	[tilespmem:s15+$0x3570] =	vst v15  }
0x183: {  	[tilespmem:s15+$0x2D70] =	vst v16  }
0x184: {  	[hbm4b:s22+s2] =	stream.linear.scatter [tilespmem:s12], [sflag:$0x1], $0x2000, $0x38;
	[tilespmem:$0x6100] =	vst v63  }
0x185: {  	_ = 	snop  }
0x186: {  	[hbm4b:s23+s2] =	stream.linear.scatter [tilespmem:s12], [sflag:$0x1], $0x2000, $0x38;
	[tilespmem:$0x6100] =	vst v63  }
0x187: {  	_ = 	snop  }
0x188: {  	[hbm4b:s24+s2] =	stream.linear.scatter [tilespmem:s12], [sflag:$0x1], $0x2000, $0x38;
	[tilespmem:$0x6100] =	vst v63  }
0x189: {  	_ = 	snop  }
0x18a: {  	[hbm4b:s26+s2] =	stream.linear.scatter [tilespmem:s12], [sflag:$0x1], $0x2000, $0x38;
	[tilespmem:$0x6100] =	vst v63  }
0x18b: {  	_ = 	snop  }
0x18c: {  	[hbm4b:s28+s2] =	stream.linear.scatter [tilespmem:s12], [sflag:$0x1], $0x2000, $0x38;
	[tilespmem:$0x6100] =	vst v63  }
0x18d: {  	_ = 	snop  }
0x18e: {  	[hbm4b:s29+s2] =	stream.linear.scatter [tilespmem:s12], [sflag:$0x1], $0x2000, $0x38;
	[tilespmem:$0x6100] =	vst v63  }
0x18f: {  	_ = 	snop  }
0x190: {  	[hbm4b:s30+s2] =	stream.linear.scatter [tilespmem:s12], [sflag:$0x1], $0x2000, $0x38;
	[tilespmem:$0x6100] =	vst v63  }
0x191: {  	_ = 	snop  }
0x192: {  	[hbm4b:s31+s2] =	stream.linear.scatter [tilespmem:s12], [sflag:$0x1], $0x2000, $0x38;
	[tilespmem:$0x6100] =	vst v63  }
0x193: {  	_ = 	snop  }
0x194: {  	[hbm4b:s0+s2] =	stream.linear.scatter [tilespmem:s12], [sflag:$0x1], $0x2000, $0x38;
	[tilespmem:$0x6100] =	vst v63  }
0x195: {  	_ = 	snop  }
0x196: {  	[hbm4b:s1+s2] =	stream.linear.scatter [tilespmem:s12], [sflag:$0x1], $0x2000, $0x38;
	[tilespmem:$0x6100] =	vst v63  }
0x197: {  	_ = 	snop  }
0x198: {  	[hbm4b:s3+s2] =	stream.linear.scatter [tilespmem:s12], [sflag:$0x1], $0x2000, $0x38;
	[tilespmem:$0x6100] =	vst v63  }
0x199: {  	_ = 	snop  }
0x19a: {  	[hbm4b:s4+s2] =	stream.linear.scatter [tilespmem:s12], [sflag:$0x1], $0x2000, $0x38;
	[tilespmem:$0x6100] =	vst v63  }
0x19b: {  	_ = 	snop  }
0x19c: {  	[hbm4b:s5+s2] =	stream.linear.scatter [tilespmem:s12], [sflag:$0x1], $0x2000, $0x38;
	[tilespmem:$0x6100] =	vst v63  }
0x19d: {  	_ = 	snop  }
0x19e: {  	[hbm4b:s7+s2] =	stream.linear.scatter [tilespmem:s12], [sflag:$0x1], $0x2000, $0x38;
	[tilespmem:$0x6100] =	vst v63  }
0x19f: {  	_ = 	snop  }
0x1a0: {  	[hbm4b:s8+s2] =	stream.linear.scatter [tilespmem:s12], [sflag:$0x1], $0x2000, $0x38;
	[tilespmem:$0x6100] =	vst v63  }
0x1a1: {  	_ = 	snop  }
0x1a2: {  	[hbm4b:s9+s2] =	stream.linear.scatter [tilespmem:s12], [sflag:$0x1], $0x2000, $0x38;
	[tilespmem:$0x6100] =	vst v63  }
0x1a3: {  	_ =	swait.ge [sflag:s13], $0x2000  }
0x1a4: {  	[sflag:s13] =	ssyncset.done $0x0  }
0x1a5: {  	[sflag:s13] =	ssyncadd.s32 $0xFFFFE000  }
0x1a6: {  	_ =	swait.ge [sflag:s13], $0x2000  }
0x1a7: {  	[sflag:s13] =	ssyncset.done $0x0  }
0x1a8: {  	[sflag:s13] =	ssyncadd.s32 $0xFFFFE000  }
0x1a9: {  	_ =	swait.ge [sflag:s13], $0x2000  }
0x1aa: {  	[sflag:s13] =	ssyncset.done $0x0  }
0x1ab: {  	[sflag:s13] =	ssyncadd.s32 $0xFFFFE000  }
0x1ac: {  	_ =	swait.ge [sflag:s13], $0x2000  }
0x1ad: {  	[sflag:s13] =	ssyncset.done $0x0  }
0x1ae: {  	[sflag:s13] =	ssyncadd.s32 $0xFFFFE000  }
0x1af: {  	_ =	swait.ge [sflag:s13], $0x2000  }
0x1b0: {  	[sflag:s13] =	ssyncset.done $0x0  }
0x1b1: {  	[sflag:s13] =	ssyncadd.s32 $0xFFFFE000  }
0x1b2: {  	_ =	swait.ge [sflag:s13], $0x2000  }
0x1b3: {  	[sflag:s13] =	ssyncset.done $0x0  }
0x1b4: {  	[sflag:s13] =	ssyncadd.s32 $0xFFFFE000  }
0x1b5: {  	_ =	swait.ge [sflag:s13], $0x2000  }
0x1b6: {  	[sflag:s13] =	ssyncset.done $0x0  }
0x1b7: {  	[sflag:s13] =	ssyncadd.s32 $0xFFFFE000  }
0x1b8: {  	_ =	swait.ge [sflag:s13], $0x2000  }
0x1b9: {  	[sflag:s13] =	ssyncset.done $0x0  }
0x1ba: {  	[sflag:s13] =	ssyncadd.s32 $0xFFFFE000  }
0x1bb: {  	_ =	swait.ge [sflag:s13], $0x2000  }
0x1bc: {  	[sflag:s13] =	ssyncset.done $0x0  }
0x1bd: {  	[sflag:s13] =	ssyncadd.s32 $0xFFFFE000  }
0x1be: {  	_ =	swait.ge [sflag:s13], $0x2000  }
0x1bf: {  	[sflag:s13] =	ssyncset.done $0x0  }
0x1c0: {  	[sflag:s13] =	ssyncadd.s32 $0xFFFFE000  }
0x1c1: {  	_ =	swait.ge [sflag:s13], $0x2000  }
0x1c2: {  	[sflag:s13] =	ssyncset.done $0x0  }
0x1c3: {  	[sflag:s13] =	ssyncadd.s32 $0xFFFFE000  }
0x1c4: {  	_ =	swait.ge [sflag:s13], $0x2000  }
0x1c5: {  	[sflag:s13] =	ssyncset.done $0x0  }
0x1c6: {  	[sflag:s13] =	ssyncadd.s32 $0xFFFFE000  }
0x1c7: {  	_ =	swait.ge [sflag:s13], $0x2000  }
0x1c8: {  	[sflag:s13] =	ssyncset.done $0x0  }
0x1c9: {  	[sflag:s13] =	ssyncadd.s32 $0xFFFFE000  }
0x1ca: {  	_ =	swait.ge [sflag:s13], $0x2000  }
0x1cb: {  	[sflag:s13] =	ssyncset.done $0x0  }
0x1cc: {  	[sflag:s13] =	ssyncadd.s32 $0xFFFFE000  }
0x1cd: {  	_ =	swait.ge [sflag:s13], $0x2000  }
0x1ce: {  	[sflag:s13] =	ssyncset.done $0x0  }
0x1cf: {  	[sflag:s13] =	ssyncadd.s32 $0xFFFFE000  }
0x1d0: {  	_ =	swait.ge [sflag:s13], $0x2000  }
0x1d1: {  	[sflag:s13] =	ssyncset.done $0x0  }
0x1d2: {  	[sflag:s13] =	ssyncadd.s32 $0xFFFFE000  }
0x1d3: {  	_ =	swait.ge [sflag:s13], $0x2000  }
0x1d4: {  	[sflag:s13] =	ssyncset.done $0x0  }
0x1d5: {  	[sflag:s13] =	ssyncadd.s32 $0xFFFFE000  }
0x1d6: {  	_ =	swait.ge [sflag:s13], $0x2000  }
0x1d7: {  	[sflag:s13] =	ssyncset.done $0x0  }
0x1d8: {  	[sflag:s13] =	ssyncadd.s32 $0xFFFFE000  }
0x1d9: {  	_ =	swait.ge [sflag:s13], $0x2000  }
0x1da: {  	[sflag:s13] =	ssyncset.done $0x0  }
0x1db: {  	[sflag:s13] =	ssyncadd.s32 $0xFFFFE000  }
0x1dc: {  	_ =	swait.ge [sflag:s13], $0x2000  }
0x1dd: {  	[sflag:s13] =	ssyncset.done $0x0  }
0x1de: {  	[sflag:s13] =	ssyncadd.s32 $0xFFFFE000  }
0x1df: {  	_ =	swait.ge [sflag:s13], $0x2000  }
0x1e0: {  	[sflag:s13] =	ssyncset.done $0x0  }
0x1e1: {  	[sflag:s13] =	ssyncadd.s32 $0xFFFFE000  }
0x1e2: {  	_ =	swait.ge [sflag:s13], $0x2000  }
0x1e3: {  	[sflag:s13] =	ssyncset.done $0x0  }
0x1e4: {  	[sflag:s13] =	ssyncadd.s32 $0xFFFFE000  }
0x1e5: {  	_ =	swait.ge [sflag:s13], $0x2000  }
0x1e6: {  	[sflag:s13] =	ssyncset.done $0x0  }
0x1e7: {  	[sflag:s13] =	ssyncadd.s32 $0xFFFFE000  }
0x1e8: {  	_ =	swait.ge [sflag:s13], $0x2000  }
0x1e9: {  	[sflag:s13] =	ssyncset.done $0x0  }
0x1ea: {  	[sflag:s13] =	ssyncadd.s32 $0xFFFFE000  }
0x1eb: {  	_ =	swait.ge [sflag:s13], $0x2000  }
0x1ec: {  	[sflag:s13] =	ssyncset.done $0x0  }
0x1ed: {  	[sflag:s13] =	ssyncadd.s32 $0xFFFFE000  }
0x1ee: {  	_ =	swait.ge [sflag:s13], $0x2000  }
0x1ef: {  	[sflag:s13] =	ssyncset.done $0x0  }
0x1f0: {  	[sflag:s13] =	ssyncadd.s32 $0xFFFFE000  }
0x1f1: {  	_ =	swait.ge [sflag:s13], $0x2000  }
0x1f2: {  	[sflag:s13] =	ssyncset.done $0x0  }
0x1f3: {  	[sflag:s13] =	ssyncadd.s32 $0xFFFFE000  }
0x1f4: {  	_ =	swait.ge [sflag:s13], $0x2000  }
0x1f5: {  	[sflag:s13] =	ssyncset.done $0x0  }
0x1f6: {  	[sflag:s13] =	ssyncadd.s32 $0xFFFFE000  }
0x1f7: {  	_ =	swait.ge [sflag:s13], $0x2000  }
0x1f8: {  	[sflag:s13] =	ssyncset.done $0x0  }
0x1f9: {  	[sflag:s13] =	ssyncadd.s32 $0xFFFFE000  }
0x1fa: {  	_ =	swait.ge [sflag:s13], $0x2000  }
0x1fb: {  	[sflag:s13] =	ssyncset.done $0x0  }
0x1fc: {  	s14 =	sadd.s32 $0x1, s14;
	[sflag:s13] =	ssyncadd.s32 $0xFFFFE000  }
0x1fd: {  	p0 =	sne.s32 s14, s25;
	_ =	swait.ge [sflag:s13], $0x2000  }
.Ltmp2:
0x1fe: {  	[sflag:s13] =	ssyncset.done $0x0;
	(pc) =	sbr.rel @p0 .LBB2_1-.Ltmp2, $4  }
0x1ff: {  	[sflag:s13] =	ssyncadd.s32 $0xFFFFE000  }
0x200: {  	_ =	swait.ge [sflag:s13], $0x2000  }
0x201: {  	[sflag:s13] =	ssyncset.done $0x0  }
0x202: {  	[sflag:s13] =	ssyncadd.s32 $0xFFFFE000  }
0x203: {  	_ =	sfence.sel $0x180000  }
0x204: {  	[bflag:$0x0] =	sbarrier.arrive $0xFFFF  }
0x205: {  	_ =	strace $0x90000047  }
0x206: {  	s0 =	stileid.u32;
	[bflag:$0x2] =	sbarrier.arrive $0xFFFF  }
0x207: {  	p0 =	sne.s32 s0, $0x0;
	s0 =	rddreg [dreg:$0x2]  }
0x208: {  	s0 =	sadd.s32 @!p0 $0x100000, s0  }
0x209: {  	[sflag:s0] =	ssyncadd.tile.s32 @!p0 $0x1;
	_ =	shalt  }
.Lfunc_end2:
_tile_overlayer_lowered:
.L_overlay_start_2:
0x20a: {  	(tag) =	ssettag $0x2  }
0x20b: {  	s0 =	rddreg [dreg:$0x0];
	s2 =	stileid.u32  }
0x20c: {  	s1 =	rddreg [dreg:$0x1];
	p0 =	sne.s32 s2, $0x0  }
0x20d: {  	s3 =	rddreg [dreg:$0x2];
	[bflag:$0x3] =	sbarrier.arrive $0xFFFF;
	s2 =	simm.s32 @!p0 $0x1C02  }
0x20e: {  	[timem:s3], [sflag:s2] =	dma.local @!p0 [hbm:s0], s1  }
0x20f: {  	s0 =	simm.s32 @!p0 $0x2  }
0x210: {  	_ =	swait.ge @!p0 [sflag:s0], s1  }
0x211: {  	s1 =	ssub.s32 @!p0 $0x0, s1;
	[sflag:s0] =	ssyncset.done @!p0 $0x0  }
0x212: {  	[sflag:s0] =	ssyncadd.s32 @!p0 s1  }
0x213: {  	[bflag:$0x3] =	sbarrier.arrive $0xFFFF  }
0x214: {  	_ =	shalt  }

</sc_bundles>
